<compile_context>
chip_gen: v7x
topology: tpu7x:2x2x1
jax: 0.10.2.dev20260603
libtpu: 0.0.44.dev20260713+nightly
codegen_flags: <defaults>
</compile_context>

<pallas_src>
import functools

import jax
import jax.numpy as jnp
from jax import lax
from jax.experimental import pallas as pl
from jax.experimental.pallas import tpu as pltpu
from jax.experimental.pallas import tpu_sc as plsc

N = 10000
E = 320000
D = 128
NP = 10240
NSUB = 16
NCORE = 2
NPHASE = 2
NQUARTER = NCORE * NPHASE
NQ = NP // NQUARTER
ROWS_PER_TILE = NQ // NSUB
ACC_ROWS = NQ + 128
EDGES_PER_TILE = E // NSUB
CHUNK = 128
FULL_CHUNKS = EDGES_PER_TILE // CHUNK
TAIL = EDGES_PER_TILE - FULL_CHUNKS * CHUNK
DEN_R, DEN_C = NP // 16, 16



_BLK = 1024


def _emit_hu(h, awd, ab, hu_ref, u_ref):
    u = jnp.exp(jnp.dot(h, awd, preferred_element_type=jnp.float32) + ab)
    hu_ref[...] = h * u
    u_ref[...] = u


def _normalized_input(acc_ref, den_ref):
    den = den_ref[...]
    return jnp.maximum(acc_ref[...] / jnp.where(den > 0, den, 1.0), 0.0)


def _tc_layer_body(flag_ref, x_ref, acc_ref, den_ref, w_ref, b_ref,
                   awd_ref, ab_ref, hu_ref, u_ref):
    xin = _normalized_input(acc_ref, den_ref)
    xin = jnp.where(flag_ref[0, 0] > 0, x_ref[...], xin)
    h = jnp.dot(xin, w_ref[...], preferred_element_type=jnp.float32)
    h = h + b_ref[...]
    h = jnp.where(h >= 0, h, 0.2 * h)
    _emit_hu(h, awd_ref[...], ab_ref[...], hu_ref, u_ref)


def _tc_final_body(acc_ref, den_ref, o_ref):
    o_ref[...] = _normalized_input(acc_ref, den_ref)


_w_spec = pl.BlockSpec((D, D), lambda i: (0, 0))
_b_spec = pl.BlockSpec((1, D), lambda i: (0, 0))
_awd_spec = pl.BlockSpec((D, 1), lambda i: (0, 0))
_ab_spec = pl.BlockSpec((1, 1), lambda i: (0, 0))
_acc_spec = pl.BlockSpec((_BLK, D), lambda i: (i, 0))
_den_spec = pl.BlockSpec((_BLK, 1), lambda i: (i, 0))
_hu_spec = pl.BlockSpec((_BLK, D), lambda i: (i, 0))
_u_spec = pl.BlockSpec((_BLK, 1), lambda i: (i, 0))

_hu_shapes = (jax.ShapeDtypeStruct((NP, D), jnp.float32),
              jax.ShapeDtypeStruct((NP, 1), jnp.float32))

_tc_layer = pl.pallas_call(
    _tc_layer_body,
    grid=(NP // _BLK,),
    in_specs=[pl.BlockSpec((1, 1), lambda i: (0, 0)),
              pl.BlockSpec((_BLK, D), lambda i: (i, 0)),
              _acc_spec, _den_spec, _w_spec, _b_spec, _awd_spec, _ab_spec],
    out_specs=(_hu_spec, _u_spec),
    out_shape=_hu_shapes,
)

_tc_final = pl.pallas_call(
    _tc_final_body,
    grid=(NP // _BLK,),
    in_specs=[_acc_spec, _den_spec],
    out_specs=pl.BlockSpec((_BLK, D), lambda i: (i, 0)),
    out_shape=jax.ShapeDtypeStruct((NP, D), jnp.float32),
)



_sc_mesh = plsc.VectorSubcoreMesh(core_axis_name="c", subcore_axis_name="s",
                                  num_cores=NCORE)


@functools.partial(
    pl.kernel,
    mesh=_sc_mesh,
    compiler_params=pltpu.CompilerParams(needs_layout_passes=False),
    out_type=(jax.ShapeDtypeStruct((NQUARTER, NQ, D), jnp.float32),
              jax.ShapeDtypeStruct((NCORE, NSUB, DEN_R, DEN_C), jnp.float32)),
    scratch_types=[
        pltpu.VMEM((CHUNK,), jnp.int32),
        pltpu.VMEM((CHUNK,), jnp.int32),
        pltpu.VMEM((CHUNK, D), jnp.float32),
        pltpu.VMEM((NP,), jnp.float32),
        pltpu.VMEM((DEN_R, DEN_C), jnp.float32),
        pltpu.VMEM_SHARED((ACC_ROWS, D), jnp.float32),
        pltpu.SemaphoreType.DMA,
    ],
)
def _sc_segsum(hu_hbm, u_hbm, src_hbm, dst_hbm, zrows_hbm, zden_hbm,
               acc_out, den_out,
               sidx, didx, rows, u_loc, den_loc, acc, gsem):
    c = lax.axis_index("c")
    s = lax.axis_index("s")
    base_row = s * ROWS_PER_TILE
    ebase = s * EDGES_PER_TILE
    dummyv = NQ + s * 8 + jnp.bitwise_and(lax.iota(jnp.int32, 16), 7)

    pltpu.sync_copy(zden_hbm, den_loc)
    pltpu.sync_copy(u_hbm, u_loc)

    for phase in range(NPHASE):
        first = phase == 0
        quarter = phase * NCORE + c
        qlo = quarter * NQ

        pltpu.sync_copy(zrows_hbm, acc.at[pl.ds(base_row, ROWS_PER_TILE)])
        plsc.subcore_barrier()

        def process_staged_chunk(qlo, first):
            gcopy = pltpu.async_copy(hu_hbm.at[didx], rows, gsem)
            for g in range(CHUNK // 16):
                sv = sidx[pl.ds(g * 16, 16)]
                if first:
                    dv = didx[pl.ds(g * 16, 16)]
                    uv = plsc.load_gather(u_loc, [dv])
                    plsc.addupdate_scatter(
                        den_loc,
                        [jnp.right_shift(sv, 4), jnp.bitwise_and(sv, 15)],
                        uv)
                sloc = sv - qlo
                ok = (sloc >= 0) & (sloc < NQ)
                sidx[pl.ds(g * 16, 16)] = jnp.where(ok, sloc, dummyv)
            gcopy.wait()
            pltpu.sync_copy(rows, acc.at[sidx], add=True)

        def chunk_body(j, carry):
            off = ebase + j * CHUNK
            pltpu.sync_copy(src_hbm.at[pl.ds(off, CHUNK)], sidx)
            pltpu.sync_copy(dst_hbm.at[pl.ds(off, CHUNK)], didx)
            process_staged_chunk(qlo, first)
            return carry

        lax.fori_loop(0, FULL_CHUNKS, chunk_body, 0)

        toff = ebase + FULL_CHUNKS * CHUNK
        pltpu.sync_copy(src_hbm.at[pl.ds(toff, TAIL)],
                        sidx.at[pl.ds(0, TAIL)])
        pltpu.sync_copy(dst_hbm.at[pl.ds(toff, TAIL)],
                        didx.at[pl.ds(0, TAIL)])
        for i in range(TAIL, CHUNK, 16):
            sidx[pl.ds(i, 16)] = jnp.full((16,), N, jnp.int32)
            didx[pl.ds(i, 16)] = jnp.zeros((16,), jnp.int32)
        process_staged_chunk(qlo, first)

        plsc.subcore_barrier()
        pltpu.sync_copy(acc.at[pl.ds(base_row, ROWS_PER_TILE)],
                        acc_out.at[quarter].at[pl.ds(base_row,
                                                     ROWS_PER_TILE)])

    pltpu.sync_copy(den_loc, den_out.at[c].at[s])



def kernel(x, edge_index, W0, b0, aW0, ab0, W1, b1, aW1, ab1, W2, b2, aW2, ab2):
    src = edge_index[0]
    dst = edge_index[1]
    zrows = jnp.zeros((ROWS_PER_TILE, D), jnp.float32)
    zden = jnp.zeros((DEN_R, DEN_C), jnp.float32)
    xp = jnp.pad(x, ((0, NP - N), (0, 0)))

    Ws = jnp.stack([W0, W1, W2])
    bs = jnp.stack([b0.reshape(1, D), b1.reshape(1, D), b2.reshape(1, D)])
    awds = jnp.stack([aW0[D:], aW1[D:], aW2[D:]])
    abs_ = jnp.stack([ab0.reshape(1, 1), ab1.reshape(1, 1), ab2.reshape(1, 1)])

    def layer_step(li, carry):
        acc, den = carry
        flag = (li == 0).astype(jnp.int32).reshape(1, 1)
        W = lax.dynamic_index_in_dim(Ws, li, keepdims=False)
        b = lax.dynamic_index_in_dim(bs, li, keepdims=False)
        awd = lax.dynamic_index_in_dim(awds, li, keepdims=False)
        ab = lax.dynamic_index_in_dim(abs_, li, keepdims=False)
        hu, u = _tc_layer(flag, xp, acc, den, W, b, awd, ab)
        accq, denq = _sc_segsum(hu, u.reshape(NP), src, dst, zrows, zden)
        den = (denq.sum(axis=(0, 1)) * 0.5).reshape(NP, 1)
        return accq.reshape(NP, D), den

    acc0 = jnp.zeros((NP, D), jnp.float32)
    den0 = jnp.zeros((NP, 1), jnp.float32)
    acc, den = lax.fori_loop(0, 3, layer_step, (acc0, den0))
    return _tc_final(acc, den)[:N]

# --- scband reference (transcript-rebuilt; emitter-appended) ---
"""Pipeline reference for scband-attention-graph-model-24129126269419 (READ-ONLY COPY).

The authoritative reference and input builder live on the scoring server;
editing this copy changes nothing except your own understanding.
"""

import jax, jax.numpy as jnp
import numpy as np

N = 10000
E = 320000
D = 128


def _linear_params(key, fan_in, fan_out):
    k1, k2 = jax.random.split(key)
    bound = 1.0 / np.sqrt(fan_in)
    W = jax.random.uniform(k1, (fan_in, fan_out), minval=-bound, maxval=bound, dtype=jnp.float32)
    b = jax.random.uniform(k2, (fan_out,), minval=-bound, maxval=bound, dtype=jnp.float32)
    return W, b


def setup_inputs(seed: int = 0):
    key = jax.random.key(seed)
    ks = jax.random.split(key, 8)
    inp = {}
    inp['x'] = jax.random.normal(ks[0], (N, D), dtype=jnp.float32)
    inp['edge_index'] = jax.random.randint(ks[1], (2, E), 0, N, dtype=jnp.int32)
    # 3 attention layers: input->hidden, hidden->hidden, hidden->output (all 128)
    for li in range(3):
        kW, kA = jax.random.split(ks[2 + li])
        W, b = _linear_params(kW, D, D)
        aW, ab = _linear_params(kA, 2 * D, 1)
        inp[f'W{li}'] = W
        inp[f'b{li}'] = b
        inp[f'aW{li}'] = aW
        inp[f'ab{li}'] = ab
    return inp


def _attn_layer(x, W, b, aW, ab, src, dst, n):
    # h = leaky_relu(linear(x), 0.2)
    h = jax.nn.leaky_relu(x @ W + b, negative_slope=0.2)
    # per-edge attention logit: attn(cat(h[i], h[j]))
    e = jnp.concatenate([h[src], h[dst]], axis=1) @ aW + ab  # [E, 1]
    e = e[:, 0]
    # sparse softmax over dim=1 (per source row), numerically stable
    emax = jax.ops.segment_max(e, src, num_segments=n)
    emax = jnp.where(jnp.isfinite(emax), emax, 0.0)
    ee = jnp.exp(e - emax[src])
    denom = jax.ops.segment_sum(ee, src, num_segments=n)
    alpha = ee / jnp.where(denom > 0, denom, 1.0)[src]
    # h2[i] += h[j] * alpha[ij]  (scatter-add over edges)
    h2 = jax.ops.segment_sum(h[dst] * alpha[:, None], src, num_segments=n)
    # nonlinearity = relu
    return jax.nn.relu(h2)


def reference(x, edge_index, W0, b0, aW0, ab0, W1, b1, aW1, ab1, W2, b2, aW2, ab2):
    src = edge_index[0]
    dst = edge_index[1]
    n = x.shape[0]
    out = _attn_layer(x, W0, b0, aW0, ab0, src, dst, n)
    out = _attn_layer(out, W1, b1, aW1, ab1, src, dst, n)
    out = _attn_layer(out, W2, b2, aW2, ab2, src, dst, n)
    return out

if __name__ == "__main__":
    import jax
    _d = setup_inputs()
    print(jax.jit(kernel)(*tuple(_d.values())))

</pallas_src>

<mosaic_0001>
#map = affine_map<(d0, d1) -> (0, 0)>
#map1 = affine_map<(d0, d1) -> (0)>
#map2 = affine_map<(d0, d1) -> (0, 0, 0)>
#map3 = affine_map<(d0, d1) -> (0, 0, 0, 0)>
module attributes {stable_mosaic.version = 14 : i64} {
  func.func @_sc_segsum(%arg0: i32, %arg1: i32, %arg2: memref<10240x128xf32, #tpu.memory_space<hbm>>, %arg3: memref<10240xf32, #tpu.memory_space<hbm>>, %arg4: memref<320000xi32, #tpu.memory_space<hbm>>, %arg5: memref<320000xi32, #tpu.memory_space<hbm>>, %arg6: memref<160x128xf32, #tpu.memory_space<hbm>>, %arg7: memref<640x16xf32, #tpu.memory_space<hbm>>, %arg8: memref<4x2560x128xf32, #tpu.memory_space<hbm>>, %arg9: memref<2x16x640x16xf32, #tpu.memory_space<hbm>>, %arg10: memref<128xi32, #tpu.memory_space<vmem>>, %arg11: memref<128xi32, #tpu.memory_space<vmem>>, %arg12: memref<128x128xf32, #tpu.memory_space<vmem>>, %arg13: memref<10240xf32, #tpu.memory_space<vmem>>, %arg14: memref<640x16xf32, #tpu.memory_space<vmem>>, %arg15: memref<2688x128xf32, #tpu.memory_space<vmem_shared>>, %arg16: memref<!tpu.dma_semaphore, #tpu.memory_space<semaphore_mem>>) attributes {dimension_semantics = [#tpu.dimension_semantics<core_parallel>, #tpu.dimension_semantics<subcore_parallel>], iteration_bounds = array<i64: 2, 16>, scalar_prefetch = 0 : i64, scratch_operands = 7 : i64, tpu.core_type = #tpu.core_type<sc_vector_subcore>, window_params = [{transform_indices = #map}, {transform_indices = #map1}, {transform_indices = #map1}, {transform_indices = #map1}, {transform_indices = #map}, {transform_indices = #map}, {transform_indices = #map2}, {transform_indices = #map3}]} {
    %mul3A = arith.constant 160 : i32
    %mul3A_0 = arith.muli %arg1, %mul3A : i32
    %mul3A_1 = arith.constant 20000 : i32
    %mul3A_2 = arith.muli %arg1, %mul3A_1 : i32
    %mul3A_3 = arith.constant 8 : i32
    %mul3A_4 = arith.muli %arg1, %mul3A_3 : i32
    %add3A = arith.constant 2560 : i32
    %add3A_5 = arith.addi %add3A, %mul3A_4 : i32
    %iota3A = tpu.iota {dimensions = array<i32: 0>} : vector<16xi32>
    %and3A = arith.constant 7 : i32
    %and3A_6 = vector.broadcast %and3A : i32 to vector<16xi32>
    %and3A_7 = arith.andi %iota3A, %and3A_6 : vector<16xi32>
    %add3A_8 = vector.broadcast %add3A_5 : i32 to vector<16xi32>
    %add3A_9 = arith.addi %add3A_8, %and3A_7 : vector<16xi32>
    "tpu.region"() ({
      %run_scoped3A = tpu.sem_alloc : memref<!tpu.dma_semaphore, #tpu.memory_space<semaphore_mem>>
      tpu.enqueue_dma source(%arg7 : memref<640x16xf32, #tpu.memory_space<hbm>>) target(%arg14 : memref<640x16xf32, #tpu.memory_space<vmem>>) target_semaphore(%run_scoped3A : memref<!tpu.dma_semaphore, #tpu.memory_space<semaphore_mem>>)
      tpu.wait_dma2 semaphore(%run_scoped3A : memref<!tpu.dma_semaphore, #tpu.memory_space<semaphore_mem>>) src(%arg7 : memref<640x16xf32, #tpu.memory_space<hbm>>) dst(%arg14 : memref<640x16xf32, #tpu.memory_space<vmem>>)
      tpu.yield
    }) : () -> ()
    "tpu.region"() ({
      %run_scoped3A = tpu.sem_alloc : memref<!tpu.dma_semaphore, #tpu.memory_space<semaphore_mem>>
      tpu.enqueue_dma source(%arg3 : memref<10240xf32, #tpu.memory_space<hbm>>) target(%arg13 : memref<10240xf32, #tpu.memory_space<vmem>>) target_semaphore(%run_scoped3A : memref<!tpu.dma_semaphore, #tpu.memory_space<semaphore_mem>>)
      tpu.wait_dma2 semaphore(%run_scoped3A : memref<!tpu.dma_semaphore, #tpu.memory_space<semaphore_mem>>) src(%arg3 : memref<10240xf32, #tpu.memory_space<hbm>>) dst(%arg13 : memref<10240xf32, #tpu.memory_space<vmem>>)
      tpu.yield
    }) : () -> ()
    %add3A_10 = arith.constant 0 : i32
    %add3A_11 = arith.addi %add3A_10, %arg0 : i32
    %mul3A_12 = arith.constant 2560 : i32
    %mul3A_13 = arith.muli %add3A_11, %mul3A_12 : i32
    "tpu.region"() ({
      %run_scoped3A = tpu.sem_alloc : memref<!tpu.dma_semaphore, #tpu.memory_space<semaphore_mem>>
      %dma_start3A_429 = arith.constant 0 : i32
      %dma_start3A_430 = tpu.memref_slice %arg15[%mul3A_0, %dma_start3A_429] : memref<2688x128xf32, #tpu.memory_space<vmem_shared>> -> memref<160x128xf32, #tpu.memory_space<vmem_shared>>
      tpu.enqueue_dma source(%arg6 : memref<160x128xf32, #tpu.memory_space<hbm>>) target(%dma_start3A_430 : memref<160x128xf32, #tpu.memory_space<vmem_shared>>) target_semaphore(%run_scoped3A : memref<!tpu.dma_semaphore, #tpu.memory_space<semaphore_mem>>)
      %dma_wait3A_431 = arith.constant 0 : i32
      %dma_wait3A_432 = tpu.memref_slice %arg15[%mul3A_0, %dma_wait3A_431] : memref<2688x128xf32, #tpu.memory_space<vmem_shared>> -> memref<160x128xf32, #tpu.memory_space<vmem_shared>>
      tpu.wait_dma2 semaphore(%run_scoped3A : memref<!tpu.dma_semaphore, #tpu.memory_space<semaphore_mem>>) src(%arg6 : memref<160x128xf32, #tpu.memory_space<hbm>>) dst(%dma_wait3A_432 : memref<160x128xf32, #tpu.memory_space<vmem_shared>>)
      tpu.yield
    }) : () -> ()
    %barrier3A = arith.constant 0 : index
    tpu.barrier barrier_id(%barrier3A)
    %scan3A = arith.constant 0 : i32
    %scan3A_14 = arith.constant 0 : i32
    %scan3A_15 = arith.constant 156 : i32
    %scan3A_16 = arith.addi %scan3A_14, %scan3A_15 : i32
    %scan3A_17 = arith.constant 1 : i32
    scf.for %scan3A_429 = %scan3A_14 to %scan3A_16 step %scan3A_17  : i32 {
      %mul3A_430 = arith.constant 128 : i32
      %mul3A_431 = arith.muli %scan3A_429, %mul3A_430 : i32
      %add3A_432 = arith.addi %mul3A_2, %mul3A_431 : i32
      "tpu.region"() ({
        %run_scoped3A = tpu.sem_alloc : memref<!tpu.dma_semaphore, #tpu.memory_space<semaphore_mem>>
        %dma_start3A_623 = tpu.memref_slice %arg4[%add3A_432] : memref<320000xi32, #tpu.memory_space<hbm>> -> memref<128xi32, #tpu.memory_space<hbm>>
        %dma_start3A_624 = tpu.memref_slice %arg4[%add3A_432] : memref<320000xi32, #tpu.memory_space<hbm>> -> memref<128xi32, #tpu.memory_space<hbm>>
        tpu.enqueue_dma source(%dma_start3A_624 : memref<128xi32, #tpu.memory_space<hbm>>) target(%arg10 : memref<128xi32, #tpu.memory_space<vmem>>) target_semaphore(%run_scoped3A : memref<!tpu.dma_semaphore, #tpu.memory_space<semaphore_mem>>)
        %dma_wait3A_625 = tpu.memref_slice %arg4[%add3A_432] : memref<320000xi32, #tpu.memory_space<hbm>> -> memref<128xi32, #tpu.memory_space<hbm>>
        %dma_wait3A_626 = tpu.memref_slice %arg4[%add3A_432] : memref<320000xi32, #tpu.memory_space<hbm>> -> memref<128xi32, #tpu.memory_space<hbm>>
        tpu.wait_dma2 semaphore(%run_scoped3A : memref<!tpu.dma_semaphore, #tpu.memory_space<semaphore_mem>>) src(%dma_wait3A_626 : memref<128xi32, #tpu.memory_space<hbm>>) dst(%arg10 : memref<128xi32, #tpu.memory_space<vmem>>)
        tpu.yield
      }) : () -> ()
      "tpu.region"() ({
        %run_scoped3A = tpu.sem_alloc : memref<!tpu.dma_semaphore, #tpu.memory_space<semaphore_mem>>
        %dma_start3A_623 = tpu.memref_slice %arg5[%add3A_432] : memref<320000xi32, #tpu.memory_space<hbm>> -> memref<128xi32, #tpu.memory_space<hbm>>
        %dma_start3A_624 = tpu.memref_slice %arg5[%add3A_432] : memref<320000xi32, #tpu.memory_space<hbm>> -> memref<128xi32, #tpu.memory_space<hbm>>
        tpu.enqueue_dma source(%dma_start3A_624 : memref<128xi32, #tpu.memory_space<hbm>>) target(%arg11 : memref<128xi32, #tpu.memory_space<vmem>>) target_semaphore(%run_scoped3A : memref<!tpu.dma_semaphore, #tpu.memory_space<semaphore_mem>>)
        %dma_wait3A_625 = tpu.memref_slice %arg5[%add3A_432] : memref<320000xi32, #tpu.memory_space<hbm>> -> memref<128xi32, #tpu.memory_space<hbm>>
        %dma_wait3A_626 = tpu.memref_slice %arg5[%add3A_432] : memref<320000xi32, #tpu.memory_space<hbm>> -> memref<128xi32, #tpu.memory_space<hbm>>
        tpu.wait_dma2 semaphore(%run_scoped3A : memref<!tpu.dma_semaphore, #tpu.memory_space<semaphore_mem>>) src(%dma_wait3A_626 : memref<128xi32, #tpu.memory_space<hbm>>) dst(%arg11 : memref<128xi32, #tpu.memory_space<vmem>>)
        tpu.yield
      }) : () -> ()
      %dma_start3A_433 = arith.constant 0 : i32
      %dma_start3A_434 = arith.constant 0 : i32
      %dma_start3A_435 = tpu.memref_slice %arg2[%dma_start3A_433, %dma_start3A_434] : memref<10240x128xf32, #tpu.memory_space<hbm>> -> memref<10240x128xf32, #tpu.memory_space<hbm>>
      tpu.enqueue_indirect_dma source(%dma_start3A_435 : memref<10240x128xf32, #tpu.memory_space<hbm>>) target(%arg12 : memref<128x128xf32, #tpu.memory_space<vmem>>) offsets(%arg11 : memref<128xi32, #tpu.memory_space<vmem>>) semaphore(%arg16 : memref<!tpu.dma_semaphore, #tpu.memory_space<semaphore_mem>>)
      %get3A_436 = arith.constant 0 : index
      %get3A_437 = tpu.vector_load %arg10[%get3A_436] {strides = array<i32>} : memref<128xi32, #tpu.memory_space<vmem>>, vector<16xi32>,
      %get3A_438 = arith.constant 0 : index
      %get3A_439 = tpu.vector_load %arg11[%get3A_438] {strides = array<i32>} : memref<128xi32, #tpu.memory_space<vmem>>, vector<16xi32>,
      %gather3A_440 = tpu.vector_load_idx %arg13[%get3A_439] : memref<10240xf32, #tpu.memory_space<vmem>>[vector<16xi32>], vector<16xf32>,
      %shift_right_arithmetic3A_441 = arith.constant 4 : i32
      %shift_right_arithmetic3A_442 = vector.broadcast %shift_right_arithmetic3A_441 : i32 to vector<16xi32>
      %shift_right_arithmetic3A_443 = arith.shrsi %get3A_437, %shift_right_arithmetic3A_442 : vector<16xi32>
      %and3A_444 = arith.constant 15 : i32
      %and3A_445 = vector.broadcast %and3A_444 : i32 to vector<16xi32>
      %and3A_446 = arith.andi %get3A_437, %and3A_445 : vector<16xi32>
      tpu.vector_store_idx %arg14[%shift_right_arithmetic3A_443, %and3A_446], %gather3A_440 {add = true} : memref<640x16xf32, #tpu.memory_space<vmem>>[vector<16xi32>, vector<16xi32>], vector<16xf32>,
      %sub3A_447 = vector.broadcast %mul3A_13 : i32 to vector<16xi32>
      %sub3A_448 = arith.subi %get3A_437, %sub3A_447 : vector<16xi32>
      %ge3A_449 = arith.constant 0 : i32
      %ge3A_450 = vector.broadcast %ge3A_449 : i32 to vector<16xi32>
      %ge3A_451 = arith.cmpi sge, %sub3A_448, %ge3A_450 : vector<16xi32>
      %lt3A_452 = arith.constant 2560 : i32
      %lt3A_453 = vector.broadcast %lt3A_452 : i32 to vector<16xi32>
      %lt3A_454 = arith.cmpi slt, %sub3A_448, %lt3A_453 : vector<16xi32>
      %and3A_455 = arith.andi %ge3A_451, %lt3A_454 : vector<16xi1>
      %select_n3A_456 = arith.select %and3A_455, %sub3A_448, %add3A_9 : vector<16xi1>, vector<16xi32>
      %swap3A_457 = arith.constant 0 : index
      %swap3A_458 = tpu.vector_load %arg10[%swap3A_457] {strides = array<i32>} : memref<128xi32, #tpu.memory_space<vmem>>, vector<16xi32>,
      tpu.vector_store %arg10[%swap3A_457], %select_n3A_456 {strides = array<i32>} : memref<128xi32, #tpu.memory_space<vmem>>, vector<16xi32>,
      %get3A_459 = arith.constant 16 : index
      %get3A_460 = tpu.vector_load %arg10[%get3A_459] {strides = array<i32>} : memref<128xi32, #tpu.memory_space<vmem>>, vector<16xi32>,
      %get3A_461 = arith.constant 16 : index
      %get3A_462 = tpu.vector_load %arg11[%get3A_461] {strides = array<i32>} : memref<128xi32, #tpu.memory_space<vmem>>, vector<16xi32>,
      %gather3A_463 = tpu.vector_load_idx %arg13[%get3A_462] : memref<10240xf32, #tpu.memory_space<vmem>>[vector<16xi32>], vector<16xf32>,
      %shift_right_arithmetic3A_464 = arith.constant 4 : i32
      %shift_right_arithmetic3A_465 = vector.broadcast %shift_right_arithmetic3A_464 : i32 to vector<16xi32>
      %shift_right_arithmetic3A_466 = arith.shrsi %get3A_460, %shift_right_arithmetic3A_465 : vector<16xi32>
      %and3A_467 = arith.constant 15 : i32
      %and3A_468 = vector.broadcast %and3A_467 : i32 to vector<16xi32>
      %and3A_469 = arith.andi %get3A_460, %and3A_468 : vector<16xi32>
      tpu.vector_store_idx %arg14[%shift_right_arithmetic3A_466, %and3A_469], %gather3A_463 {add = true} : memref<640x16xf32, #tpu.memory_space<vmem>>[vector<16xi32>, vector<16xi32>], vector<16xf32>,
      %sub3A_470 = vector.broadcast %mul3A_13 : i32 to vector<16xi32>
      %sub3A_471 = arith.subi %get3A_460, %sub3A_470 : vector<16xi32>
      %ge3A_472 = arith.constant 0 : i32
      %ge3A_473 = vector.broadcast %ge3A_472 : i32 to vector<16xi32>
      %ge3A_474 = arith.cmpi sge, %sub3A_471, %ge3A_473 : vector<16xi32>
      %lt3A_475 = arith.constant 2560 : i32
      %lt3A_476 = vector.broadcast %lt3A_475 : i32 to vector<16xi32>
      %lt3A_477 = arith.cmpi slt, %sub3A_471, %lt3A_476 : vector<16xi32>
      %and3A_478 = arith.andi %ge3A_474, %lt3A_477 : vector<16xi1>
      %select_n3A_479 = arith.select %and3A_478, %sub3A_471, %add3A_9 : vector<16xi1>, vector<16xi32>
      %swap3A_480 = arith.constant 16 : index
      %swap3A_481 = tpu.vector_load %arg10[%swap3A_480] {strides = array<i32>} : memref<128xi32, #tpu.memory_space<vmem>>, vector<16xi32>,
      tpu.vector_store %arg10[%swap3A_480], %select_n3A_479 {strides = array<i32>} : memref<128xi32, #tpu.memory_space<vmem>>, vector<16xi32>,
      %get3A_482 = arith.constant 32 : index
      %get3A_483 = tpu.vector_load %arg10[%get3A_482] {strides = array<i32>} : memref<128xi32, #tpu.memory_space<vmem>>, vector<16xi32>,
      %get3A_484 = arith.constant 32 : index
      %get3A_485 = tpu.vector_load %arg11[%get3A_484] {strides = array<i32>} : memref<128xi32, #tpu.memory_space<vmem>>, vector<16xi32>,
      %gather3A_486 = tpu.vector_load_idx %arg13[%get3A_485] : memref<10240xf32, #tpu.memory_space<vmem>>[vector<16xi32>], vector<16xf32>,
      %shift_right_arithmetic3A_487 = arith.constant 4 : i32
      %shift_right_arithmetic3A_488 = vector.broadcast %shift_right_arithmetic3A_487 : i32 to vector<16xi32>
      %shift_right_arithmetic3A_489 = arith.shrsi %get3A_483, %shift_right_arithmetic3A_488 : vector<16xi32>
      %and3A_490 = arith.constant 15 : i32
      %and3A_491 = vector.broadcast %and3A_490 : i32 to vector<16xi32>
      %and3A_492 = arith.andi %get3A_483, %and3A_491 : vector<16xi32>
      tpu.vector_store_idx %arg14[%shift_right_arithmetic3A_489, %and3A_492], %gather3A_486 {add = true} : memref<640x16xf32, #tpu.memory_space<vmem>>[vector<16xi32>, vector<16xi32>], vector<16xf32>,
      %sub3A_493 = vector.broadcast %mul3A_13 : i32 to vector<16xi32>
      %sub3A_494 = arith.subi %get3A_483, %sub3A_493 : vector<16xi32>
      %ge3A_495 = arith.constant 0 : i32
      %ge3A_496 = vector.broadcast %ge3A_495 : i32 to vector<16xi32>
      %ge3A_497 = arith.cmpi sge, %sub3A_494, %ge3A_496 : vector<16xi32>
      %lt3A_498 = arith.constant 2560 : i32
      %lt3A_499 = vector.broadcast %lt3A_498 : i32 to vector<16xi32>
      %lt3A_500 = arith.cmpi slt, %sub3A_494, %lt3A_499 : vector<16xi32>
      %and3A_501 = arith.andi %ge3A_497, %lt3A_500 : vector<16xi1>
      %select_n3A_502 = arith.select %and3A_501, %sub3A_494, %add3A_9 : vector<16xi1>, vector<16xi32>
      %swap3A_503 = arith.constant 32 : index
      %swap3A_504 = tpu.vector_load %arg10[%swap3A_503] {strides = array<i32>} : memref<128xi32, #tpu.memory_space<vmem>>, vector<16xi32>,
      tpu.vector_store %arg10[%swap3A_503], %select_n3A_502 {strides = array<i32>} : memref<128xi32, #tpu.memory_space<vmem>>, vector<16xi32>,
      %get3A_505 = arith.constant 48 : index
      %get3A_506 = tpu.vector_load %arg10[%get3A_505] {strides = array<i32>} : memref<128xi32, #tpu.memory_space<vmem>>, vector<16xi32>,
      %get3A_507 = arith.constant 48 : index
      %get3A_508 = tpu.vector_load %arg11[%get3A_507] {strides = array<i32>} : memref<128xi32, #tpu.memory_space<vmem>>, vector<16xi32>,
      %gather3A_509 = tpu.vector_load_idx %arg13[%get3A_508] : memref<10240xf32, #tpu.memory_space<vmem>>[vector<16xi32>], vector<16xf32>,
      %shift_right_arithmetic3A_510 = arith.constant 4 : i32
      %shift_right_arithmetic3A_511 = vector.broadcast %shift_right_arithmetic3A_510 : i32 to vector<16xi32>
      %shift_right_arithmetic3A_512 = arith.shrsi %get3A_506, %shift_right_arithmetic3A_511 : vector<16xi32>
      %and3A_513 = arith.constant 15 : i32
      %and3A_514 = vector.broadcast %and3A_513 : i32 to vector<16xi32>
      %and3A_515 = arith.andi %get3A_506, %and3A_514 : vector<16xi32>
      tpu.vector_store_idx %arg14[%shift_right_arithmetic3A_512, %and3A_515], %gather3A_509 {add = true} : memref<640x16xf32, #tpu.memory_space<vmem>>[vector<16xi32>, vector<16xi32>], vector<16xf32>,
      %sub3A_516 = vector.broadcast %mul3A_13 : i32 to vector<16xi32>
      %sub3A_517 = arith.subi %get3A_506, %sub3A_516 : vector<16xi32>
      %ge3A_518 = arith.constant 0 : i32
      %ge3A_519 = vector.broadcast %ge3A_518 : i32 to vector<16xi32>
      %ge3A_520 = arith.cmpi sge, %sub3A_517, %ge3A_519 : vector<16xi32>
      %lt3A_521 = arith.constant 2560 : i32
      %lt3A_522 = vector.broadcast %lt3A_521 : i32 to vector<16xi32>
      %lt3A_523 = arith.cmpi slt, %sub3A_517, %lt3A_522 : vector<16xi32>
      %and3A_524 = arith.andi %ge3A_520, %lt3A_523 : vector<16xi1>
      %select_n3A_525 = arith.select %and3A_524, %sub3A_517, %add3A_9 : vector<16xi1>, vector<16xi32>
      %swap3A_526 = arith.constant 48 : index
      %swap3A_527 = tpu.vector_load %arg10[%swap3A_526] {strides = array<i32>} : memref<128xi32, #tpu.memory_space<vmem>>, vector<16xi32>,
      tpu.vector_store %arg10[%swap3A_526], %select_n3A_525 {strides = array<i32>} : memref<128xi32, #tpu.memory_space<vmem>>, vector<16xi32>,
      %get3A_528 = arith.constant 64 : index
      %get3A_529 = tpu.vector_load %arg10[%get3A_528] {strides = array<i32>} : memref<128xi32, #tpu.memory_space<vmem>>, vector<16xi32>,
      %get3A_530 = arith.constant 64 : index
      %get3A_531 = tpu.vector_load %arg11[%get3A_530] {strides = array<i32>} : memref<128xi32, #tpu.memory_space<vmem>>, vector<16xi32>,
      %gather3A_532 = tpu.vector_load_idx %arg13[%get3A_531] : memref<10240xf32, #tpu.memory_space<vmem>>[vector<16xi32>], vector<16xf32>,
      %shift_right_arithmetic3A_533 = arith.constant 4 : i32
      %shift_right_arithmetic3A_534 = vector.broadcast %shift_right_arithmetic3A_533 : i32 to vector<16xi32>
      %shift_right_arithmetic3A_535 = arith.shrsi %get3A_529, %shift_right_arithmetic3A_534 : vector<16xi32>
      %and3A_536 = arith.constant 15 : i32
      %and3A_537 = vector.broadcast %and3A_536 : i32 to vector<16xi32>
      %and3A_538 = arith.andi %get3A_529, %and3A_537 : vector<16xi32>
      tpu.vector_store_idx %arg14[%shift_right_arithmetic3A_535, %and3A_538], %gather3A_532 {add = true} : memref<640x16xf32, #tpu.memory_space<vmem>>[vector<16xi32>, vector<16xi32>], vector<16xf32>,
      %sub3A_539 = vector.broadcast %mul3A_13 : i32 to vector<16xi32>
      %sub3A_540 = arith.subi %get3A_529, %sub3A_539 : vector<16xi32>
      %ge3A_541 = arith.constant 0 : i32
      %ge3A_542 = vector.broadcast %ge3A_541 : i32 to vector<16xi32>
      %ge3A_543 = arith.cmpi sge, %sub3A_540, %ge3A_542 : vector<16xi32>
      %lt3A_544 = arith.constant 2560 : i32
      %lt3A_545 = vector.broadcast %lt3A_544 : i32 to vector<16xi32>
      %lt3A_546 = arith.cmpi slt, %sub3A_540, %lt3A_545 : vector<16xi32>
      %and3A_547 = arith.andi %ge3A_543, %lt3A_546 : vector<16xi1>
      %select_n3A_548 = arith.select %and3A_547, %sub3A_540, %add3A_9 : vector<16xi1>, vector<16xi32>
      %swap3A_549 = arith.constant 64 : index
      %swap3A_550 = tpu.vector_load %arg10[%swap3A_549] {strides = array<i32>} : memref<128xi32, #tpu.memory_space<vmem>>, vector<16xi32>,
      tpu.vector_store %arg10[%swap3A_549], %select_n3A_548 {strides = array<i32>} : memref<128xi32, #tpu.memory_space<vmem>>, vector<16xi32>,
      %get3A_551 = arith.constant 80 : index
      %get3A_552 = tpu.vector_load %arg10[%get3A_551] {strides = array<i32>} : memref<128xi32, #tpu.memory_space<vmem>>, vector<16xi32>,
      %get3A_553 = arith.constant 80 : index
      %get3A_554 = tpu.vector_load %arg11[%get3A_553] {strides = array<i32>} : memref<128xi32, #tpu.memory_space<vmem>>, vector<16xi32>,
      %gather3A_555 = tpu.vector_load_idx %arg13[%get3A_554] : memref<10240xf32, #tpu.memory_space<vmem>>[vector<16xi32>], vector<16xf32>,
      %shift_right_arithmetic3A_556 = arith.constant 4 : i32
      %shift_right_arithmetic3A_557 = vector.broadcast %shift_right_arithmetic3A_556 : i32 to vector<16xi32>
      %shift_right_arithmetic3A_558 = arith.shrsi %get3A_552, %shift_right_arithmetic3A_557 : vector<16xi32>
      %and3A_559 = arith.constant 15 : i32
      %and3A_560 = vector.broadcast %and3A_559 : i32 to vector<16xi32>
      %and3A_561 = arith.andi %get3A_552, %and3A_560 : vector<16xi32>
      tpu.vector_store_idx %arg14[%shift_right_arithmetic3A_558, %and3A_561], %gather3A_555 {add = true} : memref<640x16xf32, #tpu.memory_space<vmem>>[vector<16xi32>, vector<16xi32>], vector<16xf32>,
      %sub3A_562 = vector.broadcast %mul3A_13 : i32 to vector<16xi32>
      %sub3A_563 = arith.subi %get3A_552, %sub3A_562 : vector<16xi32>
      %ge3A_564 = arith.constant 0 : i32
      %ge3A_565 = vector.broadcast %ge3A_564 : i32 to vector<16xi32>
      %ge3A_566 = arith.cmpi sge, %sub3A_563, %ge3A_565 : vector<16xi32>
      %lt3A_567 = arith.constant 2560 : i32
      %lt3A_568 = vector.broadcast %lt3A_567 : i32 to vector<16xi32>
      %lt3A_569 = arith.cmpi slt, %sub3A_563, %lt3A_568 : vector<16xi32>
      %and3A_570 = arith.andi %ge3A_566, %lt3A_569 : vector<16xi1>
      %select_n3A_571 = arith.select %and3A_570, %sub3A_563, %add3A_9 : vector<16xi1>, vector<16xi32>
      %swap3A_572 = arith.constant 80 : index
      %swap3A_573 = tpu.vector_load %arg10[%swap3A_572] {strides = array<i32>} : memref<128xi32, #tpu.memory_space<vmem>>, vector<16xi32>,
      tpu.vector_store %arg10[%swap3A_572], %select_n3A_571 {strides = array<i32>} : memref<128xi32, #tpu.memory_space<vmem>>, vector<16xi32>,
      %get3A_574 = arith.constant 96 : index
      %get3A_575 = tpu.vector_load %arg10[%get3A_574] {strides = array<i32>} : memref<128xi32, #tpu.memory_space<vmem>>, vector<16xi32>,
      %get3A_576 = arith.constant 96 : index
      %get3A_577 = tpu.vector_load %arg11[%get3A_576] {strides = array<i32>} : memref<128xi32, #tpu.memory_space<vmem>>, vector<16xi32>,
      %gather3A_578 = tpu.vector_load_idx %arg13[%get3A_577] : memref<10240xf32, #tpu.memory_space<vmem>>[vector<16xi32>], vector<16xf32>,
      %shift_right_arithmetic3A_579 = arith.constant 4 : i32
      %shift_right_arithmetic3A_580 = vector.broadcast %shift_right_arithmetic3A_579 : i32 to vector<16xi32>
      %shift_right_arithmetic3A_581 = arith.shrsi %get3A_575, %shift_right_arithmetic3A_580 : vector<16xi32>
      %and3A_582 = arith.constant 15 : i32
      %and3A_583 = vector.broadcast %and3A_582 : i32 to vector<16xi32>
      %and3A_584 = arith.andi %get3A_575, %and3A_583 : vector<16xi32>
      tpu.vector_store_idx %arg14[%shift_right_arithmetic3A_581, %and3A_584], %gather3A_578 {add = true} : memref<640x16xf32, #tpu.memory_space<vmem>>[vector<16xi32>, vector<16xi32>], vector<16xf32>,
      %sub3A_585 = vector.broadcast %mul3A_13 : i32 to vector<16xi32>
      %sub3A_586 = arith.subi %get3A_575, %sub3A_585 : vector<16xi32>
      %ge3A_587 = arith.constant 0 : i32
      %ge3A_588 = vector.broadcast %ge3A_587 : i32 to vector<16xi32>
      %ge3A_589 = arith.cmpi sge, %sub3A_586, %ge3A_588 : vector<16xi32>
      %lt3A_590 = arith.constant 2560 : i32
      %lt3A_591 = vector.broadcast %lt3A_590 : i32 to vector<16xi32>
      %lt3A_592 = arith.cmpi slt, %sub3A_586, %lt3A_591 : vector<16xi32>
      %and3A_593 = arith.andi %ge3A_589, %lt3A_592 : vector<16xi1>
      %select_n3A_594 = arith.select %and3A_593, %sub3A_586, %add3A_9 : vector<16xi1>, vector<16xi32>
      %swap3A_595 = arith.constant 96 : index
      %swap3A_596 = tpu.vector_load %arg10[%swap3A_595] {strides = array<i32>} : memref<128xi32, #tpu.memory_space<vmem>>, vector<16xi32>,
      tpu.vector_store %arg10[%swap3A_595], %select_n3A_594 {strides = array<i32>} : memref<128xi32, #tpu.memory_space<vmem>>, vector<16xi32>,
      %get3A_597 = arith.constant 112 : index
      %get3A_598 = tpu.vector_load %arg10[%get3A_597] {strides = array<i32>} : memref<128xi32, #tpu.memory_space<vmem>>, vector<16xi32>,
      %get3A_599 = arith.constant 112 : index
      %get3A_600 = tpu.vector_load %arg11[%get3A_599] {strides = array<i32>} : memref<128xi32, #tpu.memory_space<vmem>>, vector<16xi32>,
      %gather3A_601 = tpu.vector_load_idx %arg13[%get3A_600] : memref<10240xf32, #tpu.memory_space<vmem>>[vector<16xi32>], vector<16xf32>,
      %shift_right_arithmetic3A_602 = arith.constant 4 : i32
      %shift_right_arithmetic3A_603 = vector.broadcast %shift_right_arithmetic3A_602 : i32 to vector<16xi32>
      %shift_right_arithmetic3A_604 = arith.shrsi %get3A_598, %shift_right_arithmetic3A_603 : vector<16xi32>
      %and3A_605 = arith.constant 15 : i32
      %and3A_606 = vector.broadcast %and3A_605 : i32 to vector<16xi32>
      %and3A_607 = arith.andi %get3A_598, %and3A_606 : vector<16xi32>
      tpu.vector_store_idx %arg14[%shift_right_arithmetic3A_604, %and3A_607], %gather3A_601 {add = true} : memref<640x16xf32, #tpu.memory_space<vmem>>[vector<16xi32>, vector<16xi32>], vector<16xf32>,
      %sub3A_608 = vector.broadcast %mul3A_13 : i32 to vector<16xi32>
      %sub3A_609 = arith.subi %get3A_598, %sub3A_608 : vector<16xi32>
      %ge3A_610 = arith.constant 0 : i32
      %ge3A_611 = vector.broadcast %ge3A_610 : i32 to vector<16xi32>
      %ge3A_612 = arith.cmpi sge, %sub3A_609, %ge3A_611 : vector<16xi32>
      %lt3A_613 = arith.constant 2560 : i32
      %lt3A_614 = vector.broadcast %lt3A_613 : i32 to vector<16xi32>
      %lt3A_615 = arith.cmpi slt, %sub3A_609, %lt3A_614 : vector<16xi32>
      %and3A_616 = arith.andi %ge3A_612, %lt3A_615 : vector<16xi1>
      %select_n3A_617 = arith.select %and3A_616, %sub3A_609, %add3A_9 : vector<16xi1>, vector<16xi32>
      %swap3A_618 = arith.constant 112 : index
      %swap3A_619 = tpu.vector_load %arg10[%swap3A_618] {strides = array<i32>} : memref<128xi32, #tpu.memory_space<vmem>>, vector<16xi32>,
      tpu.vector_store %arg10[%swap3A_618], %select_n3A_617 {strides = array<i32>} : memref<128xi32, #tpu.memory_space<vmem>>, vector<16xi32>,
      %dma_wait3A_620 = arith.constant 0 : i32
      %dma_wait3A_621 = arith.constant 0 : i32
      %dma_wait3A_622 = tpu.memref_slice %arg2[%dma_wait3A_620, %dma_wait3A_621] : memref<10240x128xf32, #tpu.memory_space<hbm>> -> memref<10240x128xf32, #tpu.memory_space<hbm>>
      tpu.wait_indirect_dma semaphore(%arg16 : memref<!tpu.dma_semaphore, #tpu.memory_space<semaphore_mem>>) src(%dma_wait3A_622 : memref<10240x128xf32, #tpu.memory_space<hbm>>) dst(%arg12 : memref<128x128xf32, #tpu.memory_space<vmem>>)
      "tpu.region"() ({
        %run_scoped3A = tpu.sem_alloc : memref<!tpu.dma_semaphore, #tpu.memory_space<semaphore_mem>>
        %dma_start3A_623 = arith.constant 0 : i32
        %dma_start3A_624 = arith.constant 0 : i32
        %dma_start3A_625 = tpu.memref_slice %arg15[%dma_start3A_623, %dma_start3A_624] : memref<2688x128xf32, #tpu.memory_space<vmem_shared>> -> memref<2688x128xf32, #tpu.memory_space<vmem_shared>>
        tpu.enqueue_indirect_dma source(%arg12 : memref<128x128xf32, #tpu.memory_space<vmem>>) target(%dma_start3A_625 : memref<2688x128xf32, #tpu.memory_space<vmem_shared>>) offsets(%arg10 : memref<128xi32, #tpu.memory_space<vmem>>) semaphore(%run_scoped3A : memref<!tpu.dma_semaphore, #tpu.memory_space<semaphore_mem>>) {add = true}
        %dma_wait3A_626 = arith.constant 0 : i32
        %dma_wait3A_627 = arith.constant 0 : i32
        %dma_wait3A_628 = tpu.memref_slice %arg15[%dma_wait3A_626, %dma_wait3A_627] : memref<2688x128xf32, #tpu.memory_space<vmem_shared>> -> memref<2688x128xf32, #tpu.memory_space<vmem_shared>>
        tpu.wait_indirect_dma semaphore(%run_scoped3A : memref<!tpu.dma_semaphore, #tpu.memory_space<semaphore_mem>>) src(%arg12 : memref<128x128xf32, #tpu.memory_space<vmem>>) dst(%dma_wait3A_628 : memref<2688x128xf32, #tpu.memory_space<vmem_shared>>)
        tpu.yield
      }) : () -> ()
    }
    %scan3A_18 = arith.constant 156 : i32
    %add3A_19 = arith.constant 19968 : i32
    %add3A_20 = arith.addi %mul3A_2, %add3A_19 : i32
    "tpu.region"() ({
      %run_scoped3A = tpu.sem_alloc : memref<!tpu.dma_semaphore, #tpu.memory_space<semaphore_mem>>
      %dma_start3A_429 = arith.constant 0 : i32
      %dma_start3A_430 = tpu.memref_slice %arg10[%dma_start3A_429] : memref<128xi32, #tpu.memory_space<vmem>> -> memref<32xi32, #tpu.memory_space<vmem>>
      %dma_start3A_431 = tpu.memref_slice %arg4[%add3A_20] : memref<320000xi32, #tpu.memory_space<hbm>> -> memref<32xi32, #tpu.memory_space<hbm>>
      %dma_start3A_432 = arith.constant 0 : i32
      %dma_start3A_433 = tpu.memref_slice %arg10[%dma_start3A_432] : memref<128xi32, #tpu.memory_space<vmem>> -> memref<32xi32, #tpu.memory_space<vmem>>
      %dma_start3A_434 = tpu.memref_slice %arg4[%add3A_20] : memref<320000xi32, #tpu.memory_space<hbm>> -> memref<32xi32, #tpu.memory_space<hbm>>
      tpu.enqueue_dma source(%dma_start3A_434 : memref<32xi32, #tpu.memory_space<hbm>>) target(%dma_start3A_433 : memref<32xi32, #tpu.memory_space<vmem>>) target_semaphore(%run_scoped3A : memref<!tpu.dma_semaphore, #tpu.memory_space<semaphore_mem>>)
      %dma_wait3A_435 = arith.constant 0 : i32
      %dma_wait3A_436 = tpu.memref_slice %arg10[%dma_wait3A_435] : memref<128xi32, #tpu.memory_space<vmem>> -> memref<32xi32, #tpu.memory_space<vmem>>
      %dma_wait3A_437 = tpu.memref_slice %arg4[%add3A_20] : memref<320000xi32, #tpu.memory_space<hbm>> -> memref<32xi32, #tpu.memory_space<hbm>>
      %dma_wait3A_438 = arith.constant 0 : i32
      %dma_wait3A_439 = tpu.memref_slice %arg10[%dma_wait3A_438] : memref<128xi32, #tpu.memory_space<vmem>> -> memref<32xi32, #tpu.memory_space<vmem>>
      %dma_wait3A_440 = tpu.memref_slice %arg4[%add3A_20] : memref<320000xi32, #tpu.memory_space<hbm>> -> memref<32xi32, #tpu.memory_space<hbm>>
      tpu.wait_dma2 semaphore(%run_scoped3A : memref<!tpu.dma_semaphore, #tpu.memory_space<semaphore_mem>>) src(%dma_wait3A_440 : memref<32xi32, #tpu.memory_space<hbm>>) dst(%dma_wait3A_439 : memref<32xi32, #tpu.memory_space<vmem>>)
      tpu.yield
    }) : () -> ()
    "tpu.region"() ({
      %run_scoped3A = tpu.sem_alloc : memref<!tpu.dma_semaphore, #tpu.memory_space<semaphore_mem>>
      %dma_start3A_429 = arith.constant 0 : i32
      %dma_start3A_430 = tpu.memref_slice %arg11[%dma_start3A_429] : memref<128xi32, #tpu.memory_space<vmem>> -> memref<32xi32, #tpu.memory_space<vmem>>
      %dma_start3A_431 = tpu.memref_slice %arg5[%add3A_20] : memref<320000xi32, #tpu.memory_space<hbm>> -> memref<32xi32, #tpu.memory_space<hbm>>
      %dma_start3A_432 = arith.constant 0 : i32
      %dma_start3A_433 = tpu.memref_slice %arg11[%dma_start3A_432] : memref<128xi32, #tpu.memory_space<vmem>> -> memref<32xi32, #tpu.memory_space<vmem>>
      %dma_start3A_434 = tpu.memref_slice %arg5[%add3A_20] : memref<320000xi32, #tpu.memory_space<hbm>> -> memref<32xi32, #tpu.memory_space<hbm>>
      tpu.enqueue_dma source(%dma_start3A_434 : memref<32xi32, #tpu.memory_space<hbm>>) target(%dma_start3A_433 : memref<32xi32, #tpu.memory_space<vmem>>) target_semaphore(%run_scoped3A : memref<!tpu.dma_semaphore, #tpu.memory_space<semaphore_mem>>)
      %dma_wait3A_435 = arith.constant 0 : i32
      %dma_wait3A_436 = tpu.memref_slice %arg11[%dma_wait3A_435] : memref<128xi32, #tpu.memory_space<vmem>> -> memref<32xi32, #tpu.memory_space<vmem>>
      %dma_wait3A_437 = tpu.memref_slice %arg5[%add3A_20] : memref<320000xi32, #tpu.memory_space<hbm>> -> memref<32xi32, #tpu.memory_space<hbm>>
      %dma_wait3A_438 = arith.constant 0 : i32
      %dma_wait3A_439 = tpu.memref_slice %arg11[%dma_wait3A_438] : memref<128xi32, #tpu.memory_space<vmem>> -> memref<32xi32, #tpu.memory_space<vmem>>
      %dma_wait3A_440 = tpu.memref_slice %arg5[%add3A_20] : memref<320000xi32, #tpu.memory_space<hbm>> -> memref<32xi32, #tpu.memory_space<hbm>>
      tpu.wait_dma2 semaphore(%run_scoped3A : memref<!tpu.dma_semaphore, #tpu.memory_space<semaphore_mem>>) src(%dma_wait3A_440 : memref<32xi32, #tpu.memory_space<hbm>>) dst(%dma_wait3A_439 : memref<32xi32, #tpu.memory_space<vmem>>)
      tpu.yield
    }) : () -> ()
    %broadcast_in_dim3A = arith.constant 10000 : i32
    %broadcast_in_dim3A_21 = vector.broadcast %broadcast_in_dim3A : i32 to vector<16xi32>
    %swap3A = arith.constant 32 : index
    %swap3A_22 = tpu.vector_load %arg10[%swap3A] {strides = array<i32>} : memref<128xi32, #tpu.memory_space<vmem>>, vector<16xi32>,
    tpu.vector_store %arg10[%swap3A], %broadcast_in_dim3A_21 {strides = array<i32>} : memref<128xi32, #tpu.memory_space<vmem>>, vector<16xi32>,
    %broadcast_in_dim3A_23 = arith.constant 0 : i32
    %broadcast_in_dim3A_24 = vector.broadcast %broadcast_in_dim3A_23 : i32 to vector<16xi32>
    %swap3A_25 = arith.constant 32 : index
    %swap3A_26 = tpu.vector_load %arg11[%swap3A_25] {strides = array<i32>} : memref<128xi32, #tpu.memory_space<vmem>>, vector<16xi32>,
    tpu.vector_store %arg11[%swap3A_25], %broadcast_in_dim3A_24 {strides = array<i32>} : memref<128xi32, #tpu.memory_space<vmem>>, vector<16xi32>,
    %broadcast_in_dim3A_27 = arith.constant 10000 : i32
    %broadcast_in_dim3A_28 = vector.broadcast %broadcast_in_dim3A_27 : i32 to vector<16xi32>
    %swap3A_29 = arith.constant 48 : index
    %swap3A_30 = tpu.vector_load %arg10[%swap3A_29] {strides = array<i32>} : memref<128xi32, #tpu.memory_space<vmem>>, vector<16xi32>,
    tpu.vector_store %arg10[%swap3A_29], %broadcast_in_dim3A_28 {strides = array<i32>} : memref<128xi32, #tpu.memory_space<vmem>>, vector<16xi32>,
    %broadcast_in_dim3A_31 = arith.constant 0 : i32
    %broadcast_in_dim3A_32 = vector.broadcast %broadcast_in_dim3A_31 : i32 to vector<16xi32>
    %swap3A_33 = arith.constant 48 : index
    %swap3A_34 = tpu.vector_load %arg11[%swap3A_33] {strides = array<i32>} : memref<128xi32, #tpu.memory_space<vmem>>, vector<16xi32>,
    tpu.vector_store %arg11[%swap3A_33], %broadcast_in_dim3A_32 {strides = array<i32>} : memref<128xi32, #tpu.memory_space<vmem>>, vector<16xi32>,
    %broadcast_in_dim3A_35 = arith.constant 10000 : i32
    %broadcast_in_dim3A_36 = vector.broadcast %broadcast_in_dim3A_35 : i32 to vector<16xi32>
    %swap3A_37 = arith.constant 64 : index
    %swap3A_38 = tpu.vector_load %arg10[%swap3A_37] {strides = array<i32>} : memref<128xi32, #tpu.memory_space<vmem>>, vector<16xi32>,
    tpu.vector_store %arg10[%swap3A_37], %broadcast_in_dim3A_36 {strides = array<i32>} : memref<128xi32, #tpu.memory_space<vmem>>, vector<16xi32>,
    %broadcast_in_dim3A_39 = arith.constant 0 : i32
    %broadcast_in_dim3A_40 = vector.broadcast %broadcast_in_dim3A_39 : i32 to vector<16xi32>
    %swap3A_41 = arith.constant 64 : index
    %swap3A_42 = tpu.vector_load %arg11[%swap3A_41] {strides = array<i32>} : memref<128xi32, #tpu.memory_space<vmem>>, vector<16xi32>,
    tpu.vector_store %arg11[%swap3A_41], %broadcast_in_dim3A_40 {strides = array<i32>} : memref<128xi32, #tpu.memory_space<vmem>>, vector<16xi32>,
    %broadcast_in_dim3A_43 = arith.constant 10000 : i32
    %broadcast_in_dim3A_44 = vector.broadcast %broadcast_in_dim3A_43 : i32 to vector<16xi32>
    %swap3A_45 = arith.constant 80 : index
    %swap3A_46 = tpu.vector_load %arg10[%swap3A_45] {strides = array<i32>} : memref<128xi32, #tpu.memory_space<vmem>>, vector<16xi32>,
    tpu.vector_store %arg10[%swap3A_45], %broadcast_in_dim3A_44 {strides = array<i32>} : memref<128xi32, #tpu.memory_space<vmem>>, vector<16xi32>,
    %broadcast_in_dim3A_47 = arith.constant 0 : i32
    %broadcast_in_dim3A_48 = vector.broadcast %broadcast_in_dim3A_47 : i32 to vector<16xi32>
    %swap3A_49 = arith.constant 80 : index
    %swap3A_50 = tpu.vector_load %arg11[%swap3A_49] {strides = array<i32>} : memref<128xi32, #tpu.memory_space<vmem>>, vector<16xi32>,
    tpu.vector_store %arg11[%swap3A_49], %broadcast_in_dim3A_48 {strides = array<i32>} : memref<128xi32, #tpu.memory_space<vmem>>, vector<16xi32>,
    %broadcast_in_dim3A_51 = arith.constant 10000 : i32
    %broadcast_in_dim3A_52 = vector.broadcast %broadcast_in_dim3A_51 : i32 to vector<16xi32>
    %swap3A_53 = arith.constant 96 : index
    %swap3A_54 = tpu.vector_load %arg10[%swap3A_53] {strides = array<i32>} : memref<128xi32, #tpu.memory_space<vmem>>, vector<16xi32>,
    tpu.vector_store %arg10[%swap3A_53], %broadcast_in_dim3A_52 {strides = array<i32>} : memref<128xi32, #tpu.memory_space<vmem>>, vector<16xi32>,
    %broadcast_in_dim3A_55 = arith.constant 0 : i32
    %broadcast_in_dim3A_56 = vector.broadcast %broadcast_in_dim3A_55 : i32 to vector<16xi32>
    %swap3A_57 = arith.constant 96 : index
    %swap3A_58 = tpu.vector_load %arg11[%swap3A_57] {strides = array<i32>} : memref<128xi32, #tpu.memory_space<vmem>>, vector<16xi32>,
    tpu.vector_store %arg11[%swap3A_57], %broadcast_in_dim3A_56 {strides = array<i32>} : memref<128xi32, #tpu.memory_space<vmem>>, vector<16xi32>,
    %broadcast_in_dim3A_59 = arith.constant 10000 : i32
    %broadcast_in_dim3A_60 = vector.broadcast %broadcast_in_dim3A_59 : i32 to vector<16xi32>
    %swap3A_61 = arith.constant 112 : index
    %swap3A_62 = tpu.vector_load %arg10[%swap3A_61] {strides = array<i32>} : memref<128xi32, #tpu.memory_space<vmem>>, vector<16xi32>,
    tpu.vector_store %arg10[%swap3A_61], %broadcast_in_dim3A_60 {strides = array<i32>} : memref<128xi32, #tpu.memory_space<vmem>>, vector<16xi32>,
    %broadcast_in_dim3A_63 = arith.constant 0 : i32
    %broadcast_in_dim3A_64 = vector.broadcast %broadcast_in_dim3A_63 : i32 to vector<16xi32>
    %swap3A_65 = arith.constant 112 : index
    %swap3A_66 = tpu.vector_load %arg11[%swap3A_65] {strides = array<i32>} : memref<128xi32, #tpu.memory_space<vmem>>, vector<16xi32>,
    tpu.vector_store %arg11[%swap3A_65], %broadcast_in_dim3A_64 {strides = array<i32>} : memref<128xi32, #tpu.memory_space<vmem>>, vector<16xi32>,
    %dma_start3A = arith.constant 0 : i32
    %dma_start3A_67 = arith.constant 0 : i32
    %dma_start3A_68 = tpu.memref_slice %arg2[%dma_start3A, %dma_start3A_67] : memref<10240x128xf32, #tpu.memory_space<hbm>> -> memref<10240x128xf32, #tpu.memory_space<hbm>>
    tpu.enqueue_indirect_dma source(%dma_start3A_68 : memref<10240x128xf32, #tpu.memory_space<hbm>>) target(%arg12 : memref<128x128xf32, #tpu.memory_space<vmem>>) offsets(%arg11 : memref<128xi32, #tpu.memory_space<vmem>>) semaphore(%arg16 : memref<!tpu.dma_semaphore, #tpu.memory_space<semaphore_mem>>)
    %get3A = arith.constant 0 : index
    %get3A_69 = tpu.vector_load %arg10[%get3A] {strides = array<i32>} : memref<128xi32, #tpu.memory_space<vmem>>, vector<16xi32>,
    %get3A_70 = arith.constant 0 : index
    %get3A_71 = tpu.vector_load %arg11[%get3A_70] {strides = array<i32>} : memref<128xi32, #tpu.memory_space<vmem>>, vector<16xi32>,
    %gather3A = tpu.vector_load_idx %arg13[%get3A_71] : memref<10240xf32, #tpu.memory_space<vmem>>[vector<16xi32>], vector<16xf32>,
    %shift_right_arithmetic3A = arith.constant 4 : i32
    %shift_right_arithmetic3A_72 = vector.broadcast %shift_right_arithmetic3A : i32 to vector<16xi32>
    %shift_right_arithmetic3A_73 = arith.shrsi %get3A_69, %shift_right_arithmetic3A_72 : vector<16xi32>
    %and3A_74 = arith.constant 15 : i32
    %and3A_75 = vector.broadcast %and3A_74 : i32 to vector<16xi32>
    %and3A_76 = arith.andi %get3A_69, %and3A_75 : vector<16xi32>
    tpu.vector_store_idx %arg14[%shift_right_arithmetic3A_73, %and3A_76], %gather3A {add = true} : memref<640x16xf32, #tpu.memory_space<vmem>>[vector<16xi32>, vector<16xi32>], vector<16xf32>,
    %sub3A = vector.broadcast %mul3A_13 : i32 to vector<16xi32>
    %sub3A_77 = arith.subi %get3A_69, %sub3A : vector<16xi32>
    %ge3A = arith.constant 0 : i32
    %ge3A_78 = vector.broadcast %ge3A : i32 to vector<16xi32>
    %ge3A_79 = arith.cmpi sge, %sub3A_77, %ge3A_78 : vector<16xi32>
    %lt3A = arith.constant 2560 : i32
    %lt3A_80 = vector.broadcast %lt3A : i32 to vector<16xi32>
    %lt3A_81 = arith.cmpi slt, %sub3A_77, %lt3A_80 : vector<16xi32>
    %and3A_82 = arith.andi %ge3A_79, %lt3A_81 : vector<16xi1>
    %select_n3A = arith.select %and3A_82, %sub3A_77, %add3A_9 : vector<16xi1>, vector<16xi32>
    %swap3A_83 = arith.constant 0 : index
    %swap3A_84 = tpu.vector_load %arg10[%swap3A_83] {strides = array<i32>} : memref<128xi32, #tpu.memory_space<vmem>>, vector<16xi32>,
    tpu.vector_store %arg10[%swap3A_83], %select_n3A {strides = array<i32>} : memref<128xi32, #tpu.memory_space<vmem>>, vector<16xi32>,
    %get3A_85 = arith.constant 16 : index
    %get3A_86 = tpu.vector_load %arg10[%get3A_85] {strides = array<i32>} : memref<128xi32, #tpu.memory_space<vmem>>, vector<16xi32>,
    %get3A_87 = arith.constant 16 : index
    %get3A_88 = tpu.vector_load %arg11[%get3A_87] {strides = array<i32>} : memref<128xi32, #tpu.memory_space<vmem>>, vector<16xi32>,
    %gather3A_89 = tpu.vector_load_idx %arg13[%get3A_88] : memref<10240xf32, #tpu.memory_space<vmem>>[vector<16xi32>], vector<16xf32>,
    %shift_right_arithmetic3A_90 = arith.constant 4 : i32
    %shift_right_arithmetic3A_91 = vector.broadcast %shift_right_arithmetic3A_90 : i32 to vector<16xi32>
    %shift_right_arithmetic3A_92 = arith.shrsi %get3A_86, %shift_right_arithmetic3A_91 : vector<16xi32>
    %and3A_93 = arith.constant 15 : i32
    %and3A_94 = vector.broadcast %and3A_93 : i32 to vector<16xi32>
    %and3A_95 = arith.andi %get3A_86, %and3A_94 : vector<16xi32>
    tpu.vector_store_idx %arg14[%shift_right_arithmetic3A_92, %and3A_95], %gather3A_89 {add = true} : memref<640x16xf32, #tpu.memory_space<vmem>>[vector<16xi32>, vector<16xi32>], vector<16xf32>,
    %sub3A_96 = vector.broadcast %mul3A_13 : i32 to vector<16xi32>
    %sub3A_97 = arith.subi %get3A_86, %sub3A_96 : vector<16xi32>
    %ge3A_98 = arith.constant 0 : i32
    %ge3A_99 = vector.broadcast %ge3A_98 : i32 to vector<16xi32>
    %ge3A_100 = arith.cmpi sge, %sub3A_97, %ge3A_99 : vector<16xi32>
    %lt3A_101 = arith.constant 2560 : i32
    %lt3A_102 = vector.broadcast %lt3A_101 : i32 to vector<16xi32>
    %lt3A_103 = arith.cmpi slt, %sub3A_97, %lt3A_102 : vector<16xi32>
    %and3A_104 = arith.andi %ge3A_100, %lt3A_103 : vector<16xi1>
    %select_n3A_105 = arith.select %and3A_104, %sub3A_97, %add3A_9 : vector<16xi1>, vector<16xi32>
    %swap3A_106 = arith.constant 16 : index
    %swap3A_107 = tpu.vector_load %arg10[%swap3A_106] {strides = array<i32>} : memref<128xi32, #tpu.memory_space<vmem>>, vector<16xi32>,
    tpu.vector_store %arg10[%swap3A_106], %select_n3A_105 {strides = array<i32>} : memref<128xi32, #tpu.memory_space<vmem>>, vector<16xi32>,
    %get3A_108 = arith.constant 32 : index
    %get3A_109 = tpu.vector_load %arg10[%get3A_108] {strides = array<i32>} : memref<128xi32, #tpu.memory_space<vmem>>, vector<16xi32>,
    %get3A_110 = arith.constant 32 : index
    %get3A_111 = tpu.vector_load %arg11[%get3A_110] {strides = array<i32>} : memref<128xi32, #tpu.memory_space<vmem>>, vector<16xi32>,
    %gather3A_112 = tpu.vector_load_idx %arg13[%get3A_111] : memref<10240xf32, #tpu.memory_space<vmem>>[vector<16xi32>], vector<16xf32>,
    %shift_right_arithmetic3A_113 = arith.constant 4 : i32
    %shift_right_arithmetic3A_114 = vector.broadcast %shift_right_arithmetic3A_113 : i32 to vector<16xi32>
    %shift_right_arithmetic3A_115 = arith.shrsi %get3A_109, %shift_right_arithmetic3A_114 : vector<16xi32>
    %and3A_116 = arith.constant 15 : i32
    %and3A_117 = vector.broadcast %and3A_116 : i32 to vector<16xi32>
    %and3A_118 = arith.andi %get3A_109, %and3A_117 : vector<16xi32>
    tpu.vector_store_idx %arg14[%shift_right_arithmetic3A_115, %and3A_118], %gather3A_112 {add = true} : memref<640x16xf32, #tpu.memory_space<vmem>>[vector<16xi32>, vector<16xi32>], vector<16xf32>,
    %sub3A_119 = vector.broadcast %mul3A_13 : i32 to vector<16xi32>
    %sub3A_120 = arith.subi %get3A_109, %sub3A_119 : vector<16xi32>
    %ge3A_121 = arith.constant 0 : i32
    %ge3A_122 = vector.broadcast %ge3A_121 : i32 to vector<16xi32>
    %ge3A_123 = arith.cmpi sge, %sub3A_120, %ge3A_122 : vector<16xi32>
    %lt3A_124 = arith.constant 2560 : i32
    %lt3A_125 = vector.broadcast %lt3A_124 : i32 to vector<16xi32>
    %lt3A_126 = arith.cmpi slt, %sub3A_120, %lt3A_125 : vector<16xi32>
    %and3A_127 = arith.andi %ge3A_123, %lt3A_126 : vector<16xi1>
    %select_n3A_128 = arith.select %and3A_127, %sub3A_120, %add3A_9 : vector<16xi1>, vector<16xi32>
    %swap3A_129 = arith.constant 32 : index
    %swap3A_130 = tpu.vector_load %arg10[%swap3A_129] {strides = array<i32>} : memref<128xi32, #tpu.memory_space<vmem>>, vector<16xi32>,
    tpu.vector_store %arg10[%swap3A_129], %select_n3A_128 {strides = array<i32>} : memref<128xi32, #tpu.memory_space<vmem>>, vector<16xi32>,
    %get3A_131 = arith.constant 48 : index
    %get3A_132 = tpu.vector_load %arg10[%get3A_131] {strides = array<i32>} : memref<128xi32, #tpu.memory_space<vmem>>, vector<16xi32>,
    %get3A_133 = arith.constant 48 : index
    %get3A_134 = tpu.vector_load %arg11[%get3A_133] {strides = array<i32>} : memref<128xi32, #tpu.memory_space<vmem>>, vector<16xi32>,
    %gather3A_135 = tpu.vector_load_idx %arg13[%get3A_134] : memref<10240xf32, #tpu.memory_space<vmem>>[vector<16xi32>], vector<16xf32>,
    %shift_right_arithmetic3A_136 = arith.constant 4 : i32
    %shift_right_arithmetic3A_137 = vector.broadcast %shift_right_arithmetic3A_136 : i32 to vector<16xi32>
    %shift_right_arithmetic3A_138 = arith.shrsi %get3A_132, %shift_right_arithmetic3A_137 : vector<16xi32>
    %and3A_139 = arith.constant 15 : i32
    %and3A_140 = vector.broadcast %and3A_139 : i32 to vector<16xi32>
    %and3A_141 = arith.andi %get3A_132, %and3A_140 : vector<16xi32>
    tpu.vector_store_idx %arg14[%shift_right_arithmetic3A_138, %and3A_141], %gather3A_135 {add = true} : memref<640x16xf32, #tpu.memory_space<vmem>>[vector<16xi32>, vector<16xi32>], vector<16xf32>,
    %sub3A_142 = vector.broadcast %mul3A_13 : i32 to vector<16xi32>
    %sub3A_143 = arith.subi %get3A_132, %sub3A_142 : vector<16xi32>
    %ge3A_144 = arith.constant 0 : i32
    %ge3A_145 = vector.broadcast %ge3A_144 : i32 to vector<16xi32>
    %ge3A_146 = arith.cmpi sge, %sub3A_143, %ge3A_145 : vector<16xi32>
    %lt3A_147 = arith.constant 2560 : i32
    %lt3A_148 = vector.broadcast %lt3A_147 : i32 to vector<16xi32>
    %lt3A_149 = arith.cmpi slt, %sub3A_143, %lt3A_148 : vector<16xi32>
    %and3A_150 = arith.andi %ge3A_146, %lt3A_149 : vector<16xi1>
    %select_n3A_151 = arith.select %and3A_150, %sub3A_143, %add3A_9 : vector<16xi1>, vector<16xi32>
    %swap3A_152 = arith.constant 48 : index
    %swap3A_153 = tpu.vector_load %arg10[%swap3A_152] {strides = array<i32>} : memref<128xi32, #tpu.memory_space<vmem>>, vector<16xi32>,
    tpu.vector_store %arg10[%swap3A_152], %select_n3A_151 {strides = array<i32>} : memref<128xi32, #tpu.memory_space<vmem>>, vector<16xi32>,
    %get3A_154 = arith.constant 64 : index
    %get3A_155 = tpu.vector_load %arg10[%get3A_154] {strides = array<i32>} : memref<128xi32, #tpu.memory_space<vmem>>, vector<16xi32>,
    %get3A_156 = arith.constant 64 : index
    %get3A_157 = tpu.vector_load %arg11[%get3A_156] {strides = array<i32>} : memref<128xi32, #tpu.memory_space<vmem>>, vector<16xi32>,
    %gather3A_158 = tpu.vector_load_idx %arg13[%get3A_157] : memref<10240xf32, #tpu.memory_space<vmem>>[vector<16xi32>], vector<16xf32>,
    %shift_right_arithmetic3A_159 = arith.constant 4 : i32
    %shift_right_arithmetic3A_160 = vector.broadcast %shift_right_arithmetic3A_159 : i32 to vector<16xi32>
    %shift_right_arithmetic3A_161 = arith.shrsi %get3A_155, %shift_right_arithmetic3A_160 : vector<16xi32>
    %and3A_162 = arith.constant 15 : i32
    %and3A_163 = vector.broadcast %and3A_162 : i32 to vector<16xi32>
    %and3A_164 = arith.andi %get3A_155, %and3A_163 : vector<16xi32>
    tpu.vector_store_idx %arg14[%shift_right_arithmetic3A_161, %and3A_164], %gather3A_158 {add = true} : memref<640x16xf32, #tpu.memory_space<vmem>>[vector<16xi32>, vector<16xi32>], vector<16xf32>,
    %sub3A_165 = vector.broadcast %mul3A_13 : i32 to vector<16xi32>
    %sub3A_166 = arith.subi %get3A_155, %sub3A_165 : vector<16xi32>
    %ge3A_167 = arith.constant 0 : i32
    %ge3A_168 = vector.broadcast %ge3A_167 : i32 to vector<16xi32>
    %ge3A_169 = arith.cmpi sge, %sub3A_166, %ge3A_168 : vector<16xi32>
    %lt3A_170 = arith.constant 2560 : i32
    %lt3A_171 = vector.broadcast %lt3A_170 : i32 to vector<16xi32>
    %lt3A_172 = arith.cmpi slt, %sub3A_166, %lt3A_171 : vector<16xi32>
    %and3A_173 = arith.andi %ge3A_169, %lt3A_172 : vector<16xi1>
    %select_n3A_174 = arith.select %and3A_173, %sub3A_166, %add3A_9 : vector<16xi1>, vector<16xi32>
    %swap3A_175 = arith.constant 64 : index
    %swap3A_176 = tpu.vector_load %arg10[%swap3A_175] {strides = array<i32>} : memref<128xi32, #tpu.memory_space<vmem>>, vector<16xi32>,
    tpu.vector_store %arg10[%swap3A_175], %select_n3A_174 {strides = array<i32>} : memref<128xi32, #tpu.memory_space<vmem>>, vector<16xi32>,
    %get3A_177 = arith.constant 80 : index
    %get3A_178 = tpu.vector_load %arg10[%get3A_177] {strides = array<i32>} : memref<128xi32, #tpu.memory_space<vmem>>, vector<16xi32>,
    %get3A_179 = arith.constant 80 : index
    %get3A_180 = tpu.vector_load %arg11[%get3A_179] {strides = array<i32>} : memref<128xi32, #tpu.memory_space<vmem>>, vector<16xi32>,
    %gather3A_181 = tpu.vector_load_idx %arg13[%get3A_180] : memref<10240xf32, #tpu.memory_space<vmem>>[vector<16xi32>], vector<16xf32>,
    %shift_right_arithmetic3A_182 = arith.constant 4 : i32
    %shift_right_arithmetic3A_183 = vector.broadcast %shift_right_arithmetic3A_182 : i32 to vector<16xi32>
    %shift_right_arithmetic3A_184 = arith.shrsi %get3A_178, %shift_right_arithmetic3A_183 : vector<16xi32>
    %and3A_185 = arith.constant 15 : i32
    %and3A_186 = vector.broadcast %and3A_185 : i32 to vector<16xi32>
    %and3A_187 = arith.andi %get3A_178, %and3A_186 : vector<16xi32>
    tpu.vector_store_idx %arg14[%shift_right_arithmetic3A_184, %and3A_187], %gather3A_181 {add = true} : memref<640x16xf32, #tpu.memory_space<vmem>>[vector<16xi32>, vector<16xi32>], vector<16xf32>,
    %sub3A_188 = vector.broadcast %mul3A_13 : i32 to vector<16xi32>
    %sub3A_189 = arith.subi %get3A_178, %sub3A_188 : vector<16xi32>
    %ge3A_190 = arith.constant 0 : i32
    %ge3A_191 = vector.broadcast %ge3A_190 : i32 to vector<16xi32>
    %ge3A_192 = arith.cmpi sge, %sub3A_189, %ge3A_191 : vector<16xi32>
    %lt3A_193 = arith.constant 2560 : i32
    %lt3A_194 = vector.broadcast %lt3A_193 : i32 to vector<16xi32>
    %lt3A_195 = arith.cmpi slt, %sub3A_189, %lt3A_194 : vector<16xi32>
    %and3A_196 = arith.andi %ge3A_192, %lt3A_195 : vector<16xi1>
    %select_n3A_197 = arith.select %and3A_196, %sub3A_189, %add3A_9 : vector<16xi1>, vector<16xi32>
    %swap3A_198 = arith.constant 80 : index
    %swap3A_199 = tpu.vector_load %arg10[%swap3A_198] {strides = array<i32>} : memref<128xi32, #tpu.memory_space<vmem>>, vector<16xi32>,
    tpu.vector_store %arg10[%swap3A_198], %select_n3A_197 {strides = array<i32>} : memref<128xi32, #tpu.memory_space<vmem>>, vector<16xi32>,
    %get3A_200 = arith.constant 96 : index
    %get3A_201 = tpu.vector_load %arg10[%get3A_200] {strides = array<i32>} : memref<128xi32, #tpu.memory_space<vmem>>, vector<16xi32>,
    %get3A_202 = arith.constant 96 : index
    %get3A_203 = tpu.vector_load %arg11[%get3A_202] {strides = array<i32>} : memref<128xi32, #tpu.memory_space<vmem>>, vector<16xi32>,
    %gather3A_204 = tpu.vector_load_idx %arg13[%get3A_203] : memref<10240xf32, #tpu.memory_space<vmem>>[vector<16xi32>], vector<16xf32>,
    %shift_right_arithmetic3A_205 = arith.constant 4 : i32
    %shift_right_arithmetic3A_206 = vector.broadcast %shift_right_arithmetic3A_205 : i32 to vector<16xi32>
    %shift_right_arithmetic3A_207 = arith.shrsi %get3A_201, %shift_right_arithmetic3A_206 : vector<16xi32>
    %and3A_208 = arith.constant 15 : i32
    %and3A_209 = vector.broadcast %and3A_208 : i32 to vector<16xi32>
    %and3A_210 = arith.andi %get3A_201, %and3A_209 : vector<16xi32>
    tpu.vector_store_idx %arg14[%shift_right_arithmetic3A_207, %and3A_210], %gather3A_204 {add = true} : memref<640x16xf32, #tpu.memory_space<vmem>>[vector<16xi32>, vector<16xi32>], vector<16xf32>,
    %sub3A_211 = vector.broadcast %mul3A_13 : i32 to vector<16xi32>
    %sub3A_212 = arith.subi %get3A_201, %sub3A_211 : vector<16xi32>
    %ge3A_213 = arith.constant 0 : i32
    %ge3A_214 = vector.broadcast %ge3A_213 : i32 to vector<16xi32>
    %ge3A_215 = arith.cmpi sge, %sub3A_212, %ge3A_214 : vector<16xi32>
    %lt3A_216 = arith.constant 2560 : i32
    %lt3A_217 = vector.broadcast %lt3A_216 : i32 to vector<16xi32>
    %lt3A_218 = arith.cmpi slt, %sub3A_212, %lt3A_217 : vector<16xi32>
    %and3A_219 = arith.andi %ge3A_215, %lt3A_218 : vector<16xi1>
    %select_n3A_220 = arith.select %and3A_219, %sub3A_212, %add3A_9 : vector<16xi1>, vector<16xi32>
    %swap3A_221 = arith.constant 96 : index
    %swap3A_222 = tpu.vector_load %arg10[%swap3A_221] {strides = array<i32>} : memref<128xi32, #tpu.memory_space<vmem>>, vector<16xi32>,
    tpu.vector_store %arg10[%swap3A_221], %select_n3A_220 {strides = array<i32>} : memref<128xi32, #tpu.memory_space<vmem>>, vector<16xi32>,
    %get3A_223 = arith.constant 112 : index
    %get3A_224 = tpu.vector_load %arg10[%get3A_223] {strides = array<i32>} : memref<128xi32, #tpu.memory_space<vmem>>, vector<16xi32>,
    %get3A_225 = arith.constant 112 : index
    %get3A_226 = tpu.vector_load %arg11[%get3A_225] {strides = array<i32>} : memref<128xi32, #tpu.memory_space<vmem>>, vector<16xi32>,
    %gather3A_227 = tpu.vector_load_idx %arg13[%get3A_226] : memref<10240xf32, #tpu.memory_space<vmem>>[vector<16xi32>], vector<16xf32>,
    %shift_right_arithmetic3A_228 = arith.constant 4 : i32
    %shift_right_arithmetic3A_229 = vector.broadcast %shift_right_arithmetic3A_228 : i32 to vector<16xi32>
    %shift_right_arithmetic3A_230 = arith.shrsi %get3A_224, %shift_right_arithmetic3A_229 : vector<16xi32>
    %and3A_231 = arith.constant 15 : i32
    %and3A_232 = vector.broadcast %and3A_231 : i32 to vector<16xi32>
    %and3A_233 = arith.andi %get3A_224, %and3A_232 : vector<16xi32>
    tpu.vector_store_idx %arg14[%shift_right_arithmetic3A_230, %and3A_233], %gather3A_227 {add = true} : memref<640x16xf32, #tpu.memory_space<vmem>>[vector<16xi32>, vector<16xi32>], vector<16xf32>,
    %sub3A_234 = vector.broadcast %mul3A_13 : i32 to vector<16xi32>
    %sub3A_235 = arith.subi %get3A_224, %sub3A_234 : vector<16xi32>
    %ge3A_236 = arith.constant 0 : i32
    %ge3A_237 = vector.broadcast %ge3A_236 : i32 to vector<16xi32>
    %ge3A_238 = arith.cmpi sge, %sub3A_235, %ge3A_237 : vector<16xi32>
    %lt3A_239 = arith.constant 2560 : i32
    %lt3A_240 = vector.broadcast %lt3A_239 : i32 to vector<16xi32>
    %lt3A_241 = arith.cmpi slt, %sub3A_235, %lt3A_240 : vector<16xi32>
    %and3A_242 = arith.andi %ge3A_238, %lt3A_241 : vector<16xi1>
    %select_n3A_243 = arith.select %and3A_242, %sub3A_235, %add3A_9 : vector<16xi1>, vector<16xi32>
    %swap3A_244 = arith.constant 112 : index
    %swap3A_245 = tpu.vector_load %arg10[%swap3A_244] {strides = array<i32>} : memref<128xi32, #tpu.memory_space<vmem>>, vector<16xi32>,
    tpu.vector_store %arg10[%swap3A_244], %select_n3A_243 {strides = array<i32>} : memref<128xi32, #tpu.memory_space<vmem>>, vector<16xi32>,
    %dma_wait3A = arith.constant 0 : i32
    %dma_wait3A_246 = arith.constant 0 : i32
    %dma_wait3A_247 = tpu.memref_slice %arg2[%dma_wait3A, %dma_wait3A_246] : memref<10240x128xf32, #tpu.memory_space<hbm>> -> memref<10240x128xf32, #tpu.memory_space<hbm>>
    tpu.wait_indirect_dma semaphore(%arg16 : memref<!tpu.dma_semaphore, #tpu.memory_space<semaphore_mem>>) src(%dma_wait3A_247 : memref<10240x128xf32, #tpu.memory_space<hbm>>) dst(%arg12 : memref<128x128xf32, #tpu.memory_space<vmem>>)
    "tpu.region"() ({
      %run_scoped3A = tpu.sem_alloc : memref<!tpu.dma_semaphore, #tpu.memory_space<semaphore_mem>>
      %dma_start3A_429 = arith.constant 0 : i32
      %dma_start3A_430 = arith.constant 0 : i32
      %dma_start3A_431 = tpu.memref_slice %arg15[%dma_start3A_429, %dma_start3A_430] : memref<2688x128xf32, #tpu.memory_space<vmem_shared>> -> memref<2688x128xf32, #tpu.memory_space<vmem_shared>>
      tpu.enqueue_indirect_dma source(%arg12 : memref<128x128xf32, #tpu.memory_space<vmem>>) target(%dma_start3A_431 : memref<2688x128xf32, #tpu.memory_space<vmem_shared>>) offsets(%arg10 : memref<128xi32, #tpu.memory_space<vmem>>) semaphore(%run_scoped3A : memref<!tpu.dma_semaphore, #tpu.memory_space<semaphore_mem>>) {add = true}
      %dma_wait3A_432 = arith.constant 0 : i32
      %dma_wait3A_433 = arith.constant 0 : i32
      %dma_wait3A_434 = tpu.memref_slice %arg15[%dma_wait3A_432, %dma_wait3A_433] : memref<2688x128xf32, #tpu.memory_space<vmem_shared>> -> memref<2688x128xf32, #tpu.memory_space<vmem_shared>>
      tpu.wait_indirect_dma semaphore(%run_scoped3A : memref<!tpu.dma_semaphore, #tpu.memory_space<semaphore_mem>>) src(%arg12 : memref<128x128xf32, #tpu.memory_space<vmem>>) dst(%dma_wait3A_434 : memref<2688x128xf32, #tpu.memory_space<vmem_shared>>)
      tpu.yield
    }) : () -> ()
    %barrier3A_248 = arith.constant 0 : index
    tpu.barrier barrier_id(%barrier3A_248)
    "tpu.region"() ({
      %run_scoped3A = tpu.sem_alloc : memref<!tpu.dma_semaphore, #tpu.memory_space<semaphore_mem>>
      %dma_start3A_429 = arith.constant 0 : i32
      %dma_start3A_430 = arith.constant 0 : i32
      %dma_start3A_431 = tpu.memref_slice %arg8[%add3A_11, %dma_start3A_429, %dma_start3A_430] : memref<4x2560x128xf32, #tpu.memory_space<hbm>> -> memref<1x2560x128xf32, #tpu.memory_space<hbm>>
      %dma_start3A_432 = tpu.memref_squeeze %dma_start3A_431 : memref<1x2560x128xf32, #tpu.memory_space<hbm>> -> memref<2560x128xf32, #tpu.memory_space<hbm>>
      %dma_start3A_433 = arith.constant 0 : i32
      %dma_start3A_434 = tpu.memref_slice %dma_start3A_432[%mul3A_0, %dma_start3A_433] : memref<2560x128xf32, #tpu.memory_space<hbm>> -> memref<160x128xf32, #tpu.memory_space<hbm>>
      %dma_start3A_435 = arith.constant 0 : i32
      %dma_start3A_436 = tpu.memref_slice %arg15[%mul3A_0, %dma_start3A_435] : memref<2688x128xf32, #tpu.memory_space<vmem_shared>> -> memref<160x128xf32, #tpu.memory_space<vmem_shared>>
      tpu.enqueue_dma source(%dma_start3A_436 : memref<160x128xf32, #tpu.memory_space<vmem_shared>>) target(%dma_start3A_434 : memref<160x128xf32, #tpu.memory_space<hbm>>) target_semaphore(%run_scoped3A : memref<!tpu.dma_semaphore, #tpu.memory_space<semaphore_mem>>)
      %dma_wait3A_437 = arith.constant 0 : i32
      %dma_wait3A_438 = arith.constant 0 : i32
      %dma_wait3A_439 = tpu.memref_slice %arg8[%add3A_11, %dma_wait3A_437, %dma_wait3A_438] : memref<4x2560x128xf32, #tpu.memory_space<hbm>> -> memref<1x2560x128xf32, #tpu.memory_space<hbm>>
      %dma_wait3A_440 = tpu.memref_squeeze %dma_wait3A_439 : memref<1x2560x128xf32, #tpu.memory_space<hbm>> -> memref<2560x128xf32, #tpu.memory_space<hbm>>
      %dma_wait3A_441 = arith.constant 0 : i32
      %dma_wait3A_442 = tpu.memref_slice %dma_wait3A_440[%mul3A_0, %dma_wait3A_441] : memref<2560x128xf32, #tpu.memory_space<hbm>> -> memref<160x128xf32, #tpu.memory_space<hbm>>
      %dma_wait3A_443 = arith.constant 0 : i32
      %dma_wait3A_444 = tpu.memref_slice %arg15[%mul3A_0, %dma_wait3A_443] : memref<2688x128xf32, #tpu.memory_space<vmem_shared>> -> memref<160x128xf32, #tpu.memory_space<vmem_shared>>
      tpu.wait_dma2 semaphore(%run_scoped3A : memref<!tpu.dma_semaphore, #tpu.memory_space<semaphore_mem>>) src(%dma_wait3A_444 : memref<160x128xf32, #tpu.memory_space<vmem_shared>>) dst(%dma_wait3A_442 : memref<160x128xf32, #tpu.memory_space<hbm>>)
      tpu.yield
    }) : () -> ()
    %add3A_249 = arith.constant 2 : i32
    %add3A_250 = arith.addi %add3A_249, %arg0 : i32
    %mul3A_251 = arith.constant 2560 : i32
    %mul3A_252 = arith.muli %add3A_250, %mul3A_251 : i32
    "tpu.region"() ({
      %run_scoped3A = tpu.sem_alloc : memref<!tpu.dma_semaphore, #tpu.memory_space<semaphore_mem>>
      %dma_start3A_429 = arith.constant 0 : i32
      %dma_start3A_430 = tpu.memref_slice %arg15[%mul3A_0, %dma_start3A_429] : memref<2688x128xf32, #tpu.memory_space<vmem_shared>> -> memref<160x128xf32, #tpu.memory_space<vmem_shared>>
      tpu.enqueue_dma source(%arg6 : memref<160x128xf32, #tpu.memory_space<hbm>>) target(%dma_start3A_430 : memref<160x128xf32, #tpu.memory_space<vmem_shared>>) target_semaphore(%run_scoped3A : memref<!tpu.dma_semaphore, #tpu.memory_space<semaphore_mem>>)
      %dma_wait3A_431 = arith.constant 0 : i32
      %dma_wait3A_432 = tpu.memref_slice %arg15[%mul3A_0, %dma_wait3A_431] : memref<2688x128xf32, #tpu.memory_space<vmem_shared>> -> memref<160x128xf32, #tpu.memory_space<vmem_shared>>
      tpu.wait_dma2 semaphore(%run_scoped3A : memref<!tpu.dma_semaphore, #tpu.memory_space<semaphore_mem>>) src(%arg6 : memref<160x128xf32, #tpu.memory_space<hbm>>) dst(%dma_wait3A_432 : memref<160x128xf32, #tpu.memory_space<vmem_shared>>)
      tpu.yield
    }) : () -> ()
    %barrier3A_253 = arith.constant 0 : index
    tpu.barrier barrier_id(%barrier3A_253)
    %scan3A_254 = arith.constant 0 : i32
    %scan3A_255 = arith.constant 0 : i32
    %scan3A_256 = arith.constant 156 : i32
    %scan3A_257 = arith.addi %scan3A_255, %scan3A_256 : i32
    %scan3A_258 = arith.constant 1 : i32
    scf.for %scan3A_429 = %scan3A_255 to %scan3A_257 step %scan3A_258  : i32 {
      %mul3A_430 = arith.constant 128 : i32
      %mul3A_431 = arith.muli %scan3A_429, %mul3A_430 : i32
      %add3A_432 = arith.addi %mul3A_2, %mul3A_431 : i32
      "tpu.region"() ({
        %run_scoped3A = tpu.sem_alloc : memref<!tpu.dma_semaphore, #tpu.memory_space<semaphore_mem>>
        %dma_start3A_551 = tpu.memref_slice %arg4[%add3A_432] : memref<320000xi32, #tpu.memory_space<hbm>> -> memref<128xi32, #tpu.memory_space<hbm>>
        %dma_start3A_552 = tpu.memref_slice %arg4[%add3A_432] : memref<320000xi32, #tpu.memory_space<hbm>> -> memref<128xi32, #tpu.memory_space<hbm>>
        tpu.enqueue_dma source(%dma_start3A_552 : memref<128xi32, #tpu.memory_space<hbm>>) target(%arg10 : memref<128xi32, #tpu.memory_space<vmem>>) target_semaphore(%run_scoped3A : memref<!tpu.dma_semaphore, #tpu.memory_space<semaphore_mem>>)
        %dma_wait3A_553 = tpu.memref_slice %arg4[%add3A_432] : memref<320000xi32, #tpu.memory_space<hbm>> -> memref<128xi32, #tpu.memory_space<hbm>>
        %dma_wait3A_554 = tpu.memref_slice %arg4[%add3A_432] : memref<320000xi32, #tpu.memory_space<hbm>> -> memref<128xi32, #tpu.memory_space<hbm>>
        tpu.wait_dma2 semaphore(%run_scoped3A : memref<!tpu.dma_semaphore, #tpu.memory_space<semaphore_mem>>) src(%dma_wait3A_554 : memref<128xi32, #tpu.memory_space<hbm>>) dst(%arg10 : memref<128xi32, #tpu.memory_space<vmem>>)
        tpu.yield
      }) : () -> ()
      "tpu.region"() ({
        %run_scoped3A = tpu.sem_alloc : memref<!tpu.dma_semaphore, #tpu.memory_space<semaphore_mem>>
        %dma_start3A_551 = tpu.memref_slice %arg5[%add3A_432] : memref<320000xi32, #tpu.memory_space<hbm>> -> memref<128xi32, #tpu.memory_space<hbm>>
        %dma_start3A_552 = tpu.memref_slice %arg5[%add3A_432] : memref<320000xi32, #tpu.memory_space<hbm>> -> memref<128xi32, #tpu.memory_space<hbm>>
        tpu.enqueue_dma source(%dma_start3A_552 : memref<128xi32, #tpu.memory_space<hbm>>) target(%arg11 : memref<128xi32, #tpu.memory_space<vmem>>) target_semaphore(%run_scoped3A : memref<!tpu.dma_semaphore, #tpu.memory_space<semaphore_mem>>)
        %dma_wait3A_553 = tpu.memref_slice %arg5[%add3A_432] : memref<320000xi32, #tpu.memory_space<hbm>> -> memref<128xi32, #tpu.memory_space<hbm>>
        %dma_wait3A_554 = tpu.memref_slice %arg5[%add3A_432] : memref<320000xi32, #tpu.memory_space<hbm>> -> memref<128xi32, #tpu.memory_space<hbm>>
        tpu.wait_dma2 semaphore(%run_scoped3A : memref<!tpu.dma_semaphore, #tpu.memory_space<semaphore_mem>>) src(%dma_wait3A_554 : memref<128xi32, #tpu.memory_space<hbm>>) dst(%arg11 : memref<128xi32, #tpu.memory_space<vmem>>)
        tpu.yield
      }) : () -> ()
      %dma_start3A_433 = arith.constant 0 : i32
      %dma_start3A_434 = arith.constant 0 : i32
      %dma_start3A_435 = tpu.memref_slice %arg2[%dma_start3A_433, %dma_start3A_434] : memref<10240x128xf32, #tpu.memory_space<hbm>> -> memref<10240x128xf32, #tpu.memory_space<hbm>>
      tpu.enqueue_indirect_dma source(%dma_start3A_435 : memref<10240x128xf32, #tpu.memory_space<hbm>>) target(%arg12 : memref<128x128xf32, #tpu.memory_space<vmem>>) offsets(%arg11 : memref<128xi32, #tpu.memory_space<vmem>>) semaphore(%arg16 : memref<!tpu.dma_semaphore, #tpu.memory_space<semaphore_mem>>)
      %get3A_436 = arith.constant 0 : index
      %get3A_437 = tpu.vector_load %arg10[%get3A_436] {strides = array<i32>} : memref<128xi32, #tpu.memory_space<vmem>>, vector<16xi32>,
      %sub3A_438 = vector.broadcast %mul3A_252 : i32 to vector<16xi32>
      %sub3A_439 = arith.subi %get3A_437, %sub3A_438 : vector<16xi32>
      %ge3A_440 = arith.constant 0 : i32
      %ge3A_441 = vector.broadcast %ge3A_440 : i32 to vector<16xi32>
      %ge3A_442 = arith.cmpi sge, %sub3A_439, %ge3A_441 : vector<16xi32>
      %lt3A_443 = arith.constant 2560 : i32
      %lt3A_444 = vector.broadcast %lt3A_443 : i32 to vector<16xi32>
      %lt3A_445 = arith.cmpi slt, %sub3A_439, %lt3A_444 : vector<16xi32>
      %and3A_446 = arith.andi %ge3A_442, %lt3A_445 : vector<16xi1>
      %select_n3A_447 = arith.select %and3A_446, %sub3A_439, %add3A_9 : vector<16xi1>, vector<16xi32>
      %swap3A_448 = arith.constant 0 : index
      %swap3A_449 = tpu.vector_load %arg10[%swap3A_448] {strides = array<i32>} : memref<128xi32, #tpu.memory_space<vmem>>, vector<16xi32>,
      tpu.vector_store %arg10[%swap3A_448], %select_n3A_447 {strides = array<i32>} : memref<128xi32, #tpu.memory_space<vmem>>, vector<16xi32>,
      %get3A_450 = arith.constant 16 : index
      %get3A_451 = tpu.vector_load %arg10[%get3A_450] {strides = array<i32>} : memref<128xi32, #tpu.memory_space<vmem>>, vector<16xi32>,
      %sub3A_452 = vector.broadcast %mul3A_252 : i32 to vector<16xi32>
      %sub3A_453 = arith.subi %get3A_451, %sub3A_452 : vector<16xi32>
      %ge3A_454 = arith.constant 0 : i32
      %ge3A_455 = vector.broadcast %ge3A_454 : i32 to vector<16xi32>
      %ge3A_456 = arith.cmpi sge, %sub3A_453, %ge3A_455 : vector<16xi32>
      %lt3A_457 = arith.constant 2560 : i32
      %lt3A_458 = vector.broadcast %lt3A_457 : i32 to vector<16xi32>
      %lt3A_459 = arith.cmpi slt, %sub3A_453, %lt3A_458 : vector<16xi32>
      %and3A_460 = arith.andi %ge3A_456, %lt3A_459 : vector<16xi1>
      %select_n3A_461 = arith.select %and3A_460, %sub3A_453, %add3A_9 : vector<16xi1>, vector<16xi32>
      %swap3A_462 = arith.constant 16 : index
      %swap3A_463 = tpu.vector_load %arg10[%swap3A_462] {strides = array<i32>} : memref<128xi32, #tpu.memory_space<vmem>>, vector<16xi32>,
      tpu.vector_store %arg10[%swap3A_462], %select_n3A_461 {strides = array<i32>} : memref<128xi32, #tpu.memory_space<vmem>>, vector<16xi32>,
      %get3A_464 = arith.constant 32 : index
      %get3A_465 = tpu.vector_load %arg10[%get3A_464] {strides = array<i32>} : memref<128xi32, #tpu.memory_space<vmem>>, vector<16xi32>,
      %sub3A_466 = vector.broadcast %mul3A_252 : i32 to vector<16xi32>
      %sub3A_467 = arith.subi %get3A_465, %sub3A_466 : vector<16xi32>
      %ge3A_468 = arith.constant 0 : i32
      %ge3A_469 = vector.broadcast %ge3A_468 : i32 to vector<16xi32>
      %ge3A_470 = arith.cmpi sge, %sub3A_467, %ge3A_469 : vector<16xi32>
      %lt3A_471 = arith.constant 2560 : i32
      %lt3A_472 = vector.broadcast %lt3A_471 : i32 to vector<16xi32>
      %lt3A_473 = arith.cmpi slt, %sub3A_467, %lt3A_472 : vector<16xi32>
      %and3A_474 = arith.andi %ge3A_470, %lt3A_473 : vector<16xi1>
      %select_n3A_475 = arith.select %and3A_474, %sub3A_467, %add3A_9 : vector<16xi1>, vector<16xi32>
      %swap3A_476 = arith.constant 32 : index
      %swap3A_477 = tpu.vector_load %arg10[%swap3A_476] {strides = array<i32>} : memref<128xi32, #tpu.memory_space<vmem>>, vector<16xi32>,
      tpu.vector_store %arg10[%swap3A_476], %select_n3A_475 {strides = array<i32>} : memref<128xi32, #tpu.memory_space<vmem>>, vector<16xi32>,
      %get3A_478 = arith.constant 48 : index
      %get3A_479 = tpu.vector_load %arg10[%get3A_478] {strides = array<i32>} : memref<128xi32, #tpu.memory_space<vmem>>, vector<16xi32>,
      %sub3A_480 = vector.broadcast %mul3A_252 : i32 to vector<16xi32>
      %sub3A_481 = arith.subi %get3A_479, %sub3A_480 : vector<16xi32>
      %ge3A_482 = arith.constant 0 : i32
      %ge3A_483 = vector.broadcast %ge3A_482 : i32 to vector<16xi32>
      %ge3A_484 = arith.cmpi sge, %sub3A_481, %ge3A_483 : vector<16xi32>
      %lt3A_485 = arith.constant 2560 : i32
      %lt3A_486 = vector.broadcast %lt3A_485 : i32 to vector<16xi32>
      %lt3A_487 = arith.cmpi slt, %sub3A_481, %lt3A_486 : vector<16xi32>
      %and3A_488 = arith.andi %ge3A_484, %lt3A_487 : vector<16xi1>
      %select_n3A_489 = arith.select %and3A_488, %sub3A_481, %add3A_9 : vector<16xi1>, vector<16xi32>
      %swap3A_490 = arith.constant 48 : index
      %swap3A_491 = tpu.vector_load %arg10[%swap3A_490] {strides = array<i32>} : memref<128xi32, #tpu.memory_space<vmem>>, vector<16xi32>,
      tpu.vector_store %arg10[%swap3A_490], %select_n3A_489 {strides = array<i32>} : memref<128xi32, #tpu.memory_space<vmem>>, vector<16xi32>,
      %get3A_492 = arith.constant 64 : index
      %get3A_493 = tpu.vector_load %arg10[%get3A_492] {strides = array<i32>} : memref<128xi32, #tpu.memory_space<vmem>>, vector<16xi32>,
      %sub3A_494 = vector.broadcast %mul3A_252 : i32 to vector<16xi32>
      %sub3A_495 = arith.subi %get3A_493, %sub3A_494 : vector<16xi32>
      %ge3A_496 = arith.constant 0 : i32
      %ge3A_497 = vector.broadcast %ge3A_496 : i32 to vector<16xi32>
      %ge3A_498 = arith.cmpi sge, %sub3A_495, %ge3A_497 : vector<16xi32>
      %lt3A_499 = arith.constant 2560 : i32
      %lt3A_500 = vector.broadcast %lt3A_499 : i32 to vector<16xi32>
      %lt3A_501 = arith.cmpi slt, %sub3A_495, %lt3A_500 : vector<16xi32>
      %and3A_502 = arith.andi %ge3A_498, %lt3A_501 : vector<16xi1>
      %select_n3A_503 = arith.select %and3A_502, %sub3A_495, %add3A_9 : vector<16xi1>, vector<16xi32>
      %swap3A_504 = arith.constant 64 : index
      %swap3A_505 = tpu.vector_load %arg10[%swap3A_504] {strides = array<i32>} : memref<128xi32, #tpu.memory_space<vmem>>, vector<16xi32>,
      tpu.vector_store %arg10[%swap3A_504], %select_n3A_503 {strides = array<i32>} : memref<128xi32, #tpu.memory_space<vmem>>, vector<16xi32>,
      %get3A_506 = arith.constant 80 : index
      %get3A_507 = tpu.vector_load %arg10[%get3A_506] {strides = array<i32>} : memref<128xi32, #tpu.memory_space<vmem>>, vector<16xi32>,
      %sub3A_508 = vector.broadcast %mul3A_252 : i32 to vector<16xi32>
      %sub3A_509 = arith.subi %get3A_507, %sub3A_508 : vector<16xi32>
      %ge3A_510 = arith.constant 0 : i32
      %ge3A_511 = vector.broadcast %ge3A_510 : i32 to vector<16xi32>
      %ge3A_512 = arith.cmpi sge, %sub3A_509, %ge3A_511 : vector<16xi32>
      %lt3A_513 = arith.constant 2560 : i32
      %lt3A_514 = vector.broadcast %lt3A_513 : i32 to vector<16xi32>
      %lt3A_515 = arith.cmpi slt, %sub3A_509, %lt3A_514 : vector<16xi32>
      %and3A_516 = arith.andi %ge3A_512, %lt3A_515 : vector<16xi1>
      %select_n3A_517 = arith.select %and3A_516, %sub3A_509, %add3A_9 : vector<16xi1>, vector<16xi32>
      %swap3A_518 = arith.constant 80 : index
      %swap3A_519 = tpu.vector_load %arg10[%swap3A_518] {strides = array<i32>} : memref<128xi32, #tpu.memory_space<vmem>>, vector<16xi32>,
      tpu.vector_store %arg10[%swap3A_518], %select_n3A_517 {strides = array<i32>} : memref<128xi32, #tpu.memory_space<vmem>>, vector<16xi32>,
      %get3A_520 = arith.constant 96 : index
      %get3A_521 = tpu.vector_load %arg10[%get3A_520] {strides = array<i32>} : memref<128xi32, #tpu.memory_space<vmem>>, vector<16xi32>,
      %sub3A_522 = vector.broadcast %mul3A_252 : i32 to vector<16xi32>
      %sub3A_523 = arith.subi %get3A_521, %sub3A_522 : vector<16xi32>
      %ge3A_524 = arith.constant 0 : i32
      %ge3A_525 = vector.broadcast %ge3A_524 : i32 to vector<16xi32>
      %ge3A_526 = arith.cmpi sge, %sub3A_523, %ge3A_525 : vector<16xi32>
      %lt3A_527 = arith.constant 2560 : i32
      %lt3A_528 = vector.broadcast %lt3A_527 : i32 to vector<16xi32>
      %lt3A_529 = arith.cmpi slt, %sub3A_523, %lt3A_528 : vector<16xi32>
      %and3A_530 = arith.andi %ge3A_526, %lt3A_529 : vector<16xi1>
      %select_n3A_531 = arith.select %and3A_530, %sub3A_523, %add3A_9 : vector<16xi1>, vector<16xi32>
      %swap3A_532 = arith.constant 96 : index
      %swap3A_533 = tpu.vector_load %arg10[%swap3A_532] {strides = array<i32>} : memref<128xi32, #tpu.memory_space<vmem>>, vector<16xi32>,
      tpu.vector_store %arg10[%swap3A_532], %select_n3A_531 {strides = array<i32>} : memref<128xi32, #tpu.memory_space<vmem>>, vector<16xi32>,
      %get3A_534 = arith.constant 112 : index
      %get3A_535 = tpu.vector_load %arg10[%get3A_534] {strides = array<i32>} : memref<128xi32, #tpu.memory_space<vmem>>, vector<16xi32>,
      %sub3A_536 = vector.broadcast %mul3A_252 : i32 to vector<16xi32>
      %sub3A_537 = arith.subi %get3A_535, %sub3A_536 : vector<16xi32>
      %ge3A_538 = arith.constant 0 : i32
      %ge3A_539 = vector.broadcast %ge3A_538 : i32 to vector<16xi32>
      %ge3A_540 = arith.cmpi sge, %sub3A_537, %ge3A_539 : vector<16xi32>
      %lt3A_541 = arith.constant 2560 : i32
      %lt3A_542 = vector.broadcast %lt3A_541 : i32 to vector<16xi32>
      %lt3A_543 = arith.cmpi slt, %sub3A_537, %lt3A_542 : vector<16xi32>
      %and3A_544 = arith.andi %ge3A_540, %lt3A_543 : vector<16xi1>
      %select_n3A_545 = arith.select %and3A_544, %sub3A_537, %add3A_9 : vector<16xi1>, vector<16xi32>
      %swap3A_546 = arith.constant 112 : index
      %swap3A_547 = tpu.vector_load %arg10[%swap3A_546] {strides = array<i32>} : memref<128xi32, #tpu.memory_space<vmem>>, vector<16xi32>,
      tpu.vector_store %arg10[%swap3A_546], %select_n3A_545 {strides = array<i32>} : memref<128xi32, #tpu.memory_space<vmem>>, vector<16xi32>,
      %dma_wait3A_548 = arith.constant 0 : i32
      %dma_wait3A_549 = arith.constant 0 : i32
      %dma_wait3A_550 = tpu.memref_slice %arg2[%dma_wait3A_548, %dma_wait3A_549] : memref<10240x128xf32, #tpu.memory_space<hbm>> -> memref<10240x128xf32, #tpu.memory_space<hbm>>
      tpu.wait_indirect_dma semaphore(%arg16 : memref<!tpu.dma_semaphore, #tpu.memory_space<semaphore_mem>>) src(%dma_wait3A_550 : memref<10240x128xf32, #tpu.memory_space<hbm>>) dst(%arg12 : memref<128x128xf32, #tpu.memory_space<vmem>>)
      "tpu.region"() ({
        %run_scoped3A = tpu.sem_alloc : memref<!tpu.dma_semaphore, #tpu.memory_space<semaphore_mem>>
        %dma_start3A_551 = arith.constant 0 : i32
        %dma_start3A_552 = arith.constant 0 : i32
        %dma_start3A_553 = tpu.memref_slice %arg15[%dma_start3A_551, %dma_start3A_552] : memref<2688x128xf32, #tpu.memory_space<vmem_shared>> -> memref<2688x128xf32, #tpu.memory_space<vmem_shared>>
        tpu.enqueue_indirect_dma source(%arg12 : memref<128x128xf32, #tpu.memory_space<vmem>>) target(%dma_start3A_553 : memref<2688x128xf32, #tpu.memory_space<vmem_shared>>) offsets(%arg10 : memref<128xi32, #tpu.memory_space<vmem>>) semaphore(%run_scoped3A : memref<!tpu.dma_semaphore, #tpu.memory_space<semaphore_mem>>) {add = true}
        %dma_wait3A_554 = arith.constant 0 : i32
        %dma_wait3A_555 = arith.constant 0 : i32
        %dma_wait3A_556 = tpu.memref_slice %arg15[%dma_wait3A_554, %dma_wait3A_555] : memref<2688x128xf32, #tpu.memory_space<vmem_shared>> -> memref<2688x128xf32, #tpu.memory_space<vmem_shared>>
        tpu.wait_indirect_dma semaphore(%run_scoped3A : memref<!tpu.dma_semaphore, #tpu.memory_space<semaphore_mem>>) src(%arg12 : memref<128x128xf32, #tpu.memory_space<vmem>>) dst(%dma_wait3A_556 : memref<2688x128xf32, #tpu.memory_space<vmem_shared>>)
        tpu.yield
      }) : () -> ()
    }
    %scan3A_259 = arith.constant 156 : i32
    %add3A_260 = arith.constant 19968 : i32
    %add3A_261 = arith.addi %mul3A_2, %add3A_260 : i32
    "tpu.region"() ({
      %run_scoped3A = tpu.sem_alloc : memref<!tpu.dma_semaphore, #tpu.memory_space<semaphore_mem>>
      %dma_start3A_429 = arith.constant 0 : i32
      %dma_start3A_430 = tpu.memref_slice %arg10[%dma_start3A_429] : memref<128xi32, #tpu.memory_space<vmem>> -> memref<32xi32, #tpu.memory_space<vmem>>
      %dma_start3A_431 = tpu.memref_slice %arg4[%add3A_261] : memref<320000xi32, #tpu.memory_space<hbm>> -> memref<32xi32, #tpu.memory_space<hbm>>
      %dma_start3A_432 = arith.constant 0 : i32
      %dma_start3A_433 = tpu.memref_slice %arg10[%dma_start3A_432] : memref<128xi32, #tpu.memory_space<vmem>> -> memref<32xi32, #tpu.memory_space<vmem>>
      %dma_start3A_434 = tpu.memref_slice %arg4[%add3A_261] : memref<320000xi32, #tpu.memory_space<hbm>> -> memref<32xi32, #tpu.memory_space<hbm>>
      tpu.enqueue_dma source(%dma_start3A_434 : memref<32xi32, #tpu.memory_space<hbm>>) target(%dma_start3A_433 : memref<32xi32, #tpu.memory_space<vmem>>) target_semaphore(%run_scoped3A : memref<!tpu.dma_semaphore, #tpu.memory_space<semaphore_mem>>)
      %dma_wait3A_435 = arith.constant 0 : i32
      %dma_wait3A_436 = tpu.memref_slice %arg10[%dma_wait3A_435] : memref<128xi32, #tpu.memory_space<vmem>> -> memref<32xi32, #tpu.memory_space<vmem>>
      %dma_wait3A_437 = tpu.memref_slice %arg4[%add3A_261] : memref<320000xi32, #tpu.memory_space<hbm>> -> memref<32xi32, #tpu.memory_space<hbm>>
      %dma_wait3A_438 = arith.constant 0 : i32
      %dma_wait3A_439 = tpu.memref_slice %arg10[%dma_wait3A_438] : memref<128xi32, #tpu.memory_space<vmem>> -> memref<32xi32, #tpu.memory_space<vmem>>
      %dma_wait3A_440 = tpu.memref_slice %arg4[%add3A_261] : memref<320000xi32, #tpu.memory_space<hbm>> -> memref<32xi32, #tpu.memory_space<hbm>>
      tpu.wait_dma2 semaphore(%run_scoped3A : memref<!tpu.dma_semaphore, #tpu.memory_space<semaphore_mem>>) src(%dma_wait3A_440 : memref<32xi32, #tpu.memory_space<hbm>>) dst(%dma_wait3A_439 : memref<32xi32, #tpu.memory_space<vmem>>)
      tpu.yield
    }) : () -> ()
    "tpu.region"() ({
      %run_scoped3A = tpu.sem_alloc : memref<!tpu.dma_semaphore, #tpu.memory_space<semaphore_mem>>
      %dma_start3A_429 = arith.constant 0 : i32
      %dma_start3A_430 = tpu.memref_slice %arg11[%dma_start3A_429] : memref<128xi32, #tpu.memory_space<vmem>> -> memref<32xi32, #tpu.memory_space<vmem>>
      %dma_start3A_431 = tpu.memref_slice %arg5[%add3A_261] : memref<320000xi32, #tpu.memory_space<hbm>> -> memref<32xi32, #tpu.memory_space<hbm>>
      %dma_start3A_432 = arith.constant 0 : i32
      %dma_start3A_433 = tpu.memref_slice %arg11[%dma_start3A_432] : memref<128xi32, #tpu.memory_space<vmem>> -> memref<32xi32, #tpu.memory_space<vmem>>
      %dma_start3A_434 = tpu.memref_slice %arg5[%add3A_261] : memref<320000xi32, #tpu.memory_space<hbm>> -> memref<32xi32, #tpu.memory_space<hbm>>
      tpu.enqueue_dma source(%dma_start3A_434 : memref<32xi32, #tpu.memory_space<hbm>>) target(%dma_start3A_433 : memref<32xi32, #tpu.memory_space<vmem>>) target_semaphore(%run_scoped3A : memref<!tpu.dma_semaphore, #tpu.memory_space<semaphore_mem>>)
      %dma_wait3A_435 = arith.constant 0 : i32
      %dma_wait3A_436 = tpu.memref_slice %arg11[%dma_wait3A_435] : memref<128xi32, #tpu.memory_space<vmem>> -> memref<32xi32, #tpu.memory_space<vmem>>
      %dma_wait3A_437 = tpu.memref_slice %arg5[%add3A_261] : memref<320000xi32, #tpu.memory_space<hbm>> -> memref<32xi32, #tpu.memory_space<hbm>>
      %dma_wait3A_438 = arith.constant 0 : i32
      %dma_wait3A_439 = tpu.memref_slice %arg11[%dma_wait3A_438] : memref<128xi32, #tpu.memory_space<vmem>> -> memref<32xi32, #tpu.memory_space<vmem>>
      %dma_wait3A_440 = tpu.memref_slice %arg5[%add3A_261] : memref<320000xi32, #tpu.memory_space<hbm>> -> memref<32xi32, #tpu.memory_space<hbm>>
      tpu.wait_dma2 semaphore(%run_scoped3A : memref<!tpu.dma_semaphore, #tpu.memory_space<semaphore_mem>>) src(%dma_wait3A_440 : memref<32xi32, #tpu.memory_space<hbm>>) dst(%dma_wait3A_439 : memref<32xi32, #tpu.memory_space<vmem>>)
      tpu.yield
    }) : () -> ()
    %broadcast_in_dim3A_262 = arith.constant 10000 : i32
    %broadcast_in_dim3A_263 = vector.broadcast %broadcast_in_dim3A_262 : i32 to vector<16xi32>
    %swap3A_264 = arith.constant 32 : index
    %swap3A_265 = tpu.vector_load %arg10[%swap3A_264] {strides = array<i32>} : memref<128xi32, #tpu.memory_space<vmem>>, vector<16xi32>,
    tpu.vector_store %arg10[%swap3A_264], %broadcast_in_dim3A_263 {strides = array<i32>} : memref<128xi32, #tpu.memory_space<vmem>>, vector<16xi32>,
    %broadcast_in_dim3A_266 = arith.constant 0 : i32
    %broadcast_in_dim3A_267 = vector.broadcast %broadcast_in_dim3A_266 : i32 to vector<16xi32>
    %swap3A_268 = arith.constant 32 : index
    %swap3A_269 = tpu.vector_load %arg11[%swap3A_268] {strides = array<i32>} : memref<128xi32, #tpu.memory_space<vmem>>, vector<16xi32>,
    tpu.vector_store %arg11[%swap3A_268], %broadcast_in_dim3A_267 {strides = array<i32>} : memref<128xi32, #tpu.memory_space<vmem>>, vector<16xi32>,
    %broadcast_in_dim3A_270 = arith.constant 10000 : i32
    %broadcast_in_dim3A_271 = vector.broadcast %broadcast_in_dim3A_270 : i32 to vector<16xi32>
    %swap3A_272 = arith.constant 48 : index
    %swap3A_273 = tpu.vector_load %arg10[%swap3A_272] {strides = array<i32>} : memref<128xi32, #tpu.memory_space<vmem>>, vector<16xi32>,
    tpu.vector_store %arg10[%swap3A_272], %broadcast_in_dim3A_271 {strides = array<i32>} : memref<128xi32, #tpu.memory_space<vmem>>, vector<16xi32>,
    %broadcast_in_dim3A_274 = arith.constant 0 : i32
    %broadcast_in_dim3A_275 = vector.broadcast %broadcast_in_dim3A_274 : i32 to vector<16xi32>
    %swap3A_276 = arith.constant 48 : index
    %swap3A_277 = tpu.vector_load %arg11[%swap3A_276] {strides = array<i32>} : memref<128xi32, #tpu.memory_space<vmem>>, vector<16xi32>,
    tpu.vector_store %arg11[%swap3A_276], %broadcast_in_dim3A_275 {strides = array<i32>} : memref<128xi32, #tpu.memory_space<vmem>>, vector<16xi32>,
    %broadcast_in_dim3A_278 = arith.constant 10000 : i32
    %broadcast_in_dim3A_279 = vector.broadcast %broadcast_in_dim3A_278 : i32 to vector<16xi32>
    %swap3A_280 = arith.constant 64 : index
    %swap3A_281 = tpu.vector_load %arg10[%swap3A_280] {strides = array<i32>} : memref<128xi32, #tpu.memory_space<vmem>>, vector<16xi32>,
    tpu.vector_store %arg10[%swap3A_280], %broadcast_in_dim3A_279 {strides = array<i32>} : memref<128xi32, #tpu.memory_space<vmem>>, vector<16xi32>,
    %broadcast_in_dim3A_282 = arith.constant 0 : i32
    %broadcast_in_dim3A_283 = vector.broadcast %broadcast_in_dim3A_282 : i32 to vector<16xi32>
    %swap3A_284 = arith.constant 64 : index
    %swap3A_285 = tpu.vector_load %arg11[%swap3A_284] {strides = array<i32>} : memref<128xi32, #tpu.memory_space<vmem>>, vector<16xi32>,
    tpu.vector_store %arg11[%swap3A_284], %broadcast_in_dim3A_283 {strides = array<i32>} : memref<128xi32, #tpu.memory_space<vmem>>, vector<16xi32>,
    %broadcast_in_dim3A_286 = arith.constant 10000 : i32
    %broadcast_in_dim3A_287 = vector.broadcast %broadcast_in_dim3A_286 : i32 to vector<16xi32>
    %swap3A_288 = arith.constant 80 : index
    %swap3A_289 = tpu.vector_load %arg10[%swap3A_288] {strides = array<i32>} : memref<128xi32, #tpu.memory_space<vmem>>, vector<16xi32>,
    tpu.vector_store %arg10[%swap3A_288], %broadcast_in_dim3A_287 {strides = array<i32>} : memref<128xi32, #tpu.memory_space<vmem>>, vector<16xi32>,
    %broadcast_in_dim3A_290 = arith.constant 0 : i32
    %broadcast_in_dim3A_291 = vector.broadcast %broadcast_in_dim3A_290 : i32 to vector<16xi32>
    %swap3A_292 = arith.constant 80 : index
    %swap3A_293 = tpu.vector_load %arg11[%swap3A_292] {strides = array<i32>} : memref<128xi32, #tpu.memory_space<vmem>>, vector<16xi32>,
    tpu.vector_store %arg11[%swap3A_292], %broadcast_in_dim3A_291 {strides = array<i32>} : memref<128xi32, #tpu.memory_space<vmem>>, vector<16xi32>,
    %broadcast_in_dim3A_294 = arith.constant 10000 : i32
    %broadcast_in_dim3A_295 = vector.broadcast %broadcast_in_dim3A_294 : i32 to vector<16xi32>
    %swap3A_296 = arith.constant 96 : index
    %swap3A_297 = tpu.vector_load %arg10[%swap3A_296] {strides = array<i32>} : memref<128xi32, #tpu.memory_space<vmem>>, vector<16xi32>,
    tpu.vector_store %arg10[%swap3A_296], %broadcast_in_dim3A_295 {strides = array<i32>} : memref<128xi32, #tpu.memory_space<vmem>>, vector<16xi32>,
    %broadcast_in_dim3A_298 = arith.constant 0 : i32
    %broadcast_in_dim3A_299 = vector.broadcast %broadcast_in_dim3A_298 : i32 to vector<16xi32>
    %swap3A_300 = arith.constant 96 : index
    %swap3A_301 = tpu.vector_load %arg11[%swap3A_300] {strides = array<i32>} : memref<128xi32, #tpu.memory_space<vmem>>, vector<16xi32>,
    tpu.vector_store %arg11[%swap3A_300], %broadcast_in_dim3A_299 {strides = array<i32>} : memref<128xi32, #tpu.memory_space<vmem>>, vector<16xi32>,
    %broadcast_in_dim3A_302 = arith.constant 10000 : i32
    %broadcast_in_dim3A_303 = vector.broadcast %broadcast_in_dim3A_302 : i32 to vector<16xi32>
    %swap3A_304 = arith.constant 112 : index
    %swap3A_305 = tpu.vector_load %arg10[%swap3A_304] {strides = array<i32>} : memref<128xi32, #tpu.memory_space<vmem>>, vector<16xi32>,
    tpu.vector_store %arg10[%swap3A_304], %broadcast_in_dim3A_303 {strides = array<i32>} : memref<128xi32, #tpu.memory_space<vmem>>, vector<16xi32>,
    %broadcast_in_dim3A_306 = arith.constant 0 : i32
    %broadcast_in_dim3A_307 = vector.broadcast %broadcast_in_dim3A_306 : i32 to vector<16xi32>
    %swap3A_308 = arith.constant 112 : index
    %swap3A_309 = tpu.vector_load %arg11[%swap3A_308] {strides = array<i32>} : memref<128xi32, #tpu.memory_space<vmem>>, vector<16xi32>,
    tpu.vector_store %arg11[%swap3A_308], %broadcast_in_dim3A_307 {strides = array<i32>} : memref<128xi32, #tpu.memory_space<vmem>>, vector<16xi32>,
    %dma_start3A_310 = arith.constant 0 : i32
    %dma_start3A_311 = arith.constant 0 : i32
    %dma_start3A_312 = tpu.memref_slice %arg2[%dma_start3A_310, %dma_start3A_311] : memref<10240x128xf32, #tpu.memory_space<hbm>> -> memref<10240x128xf32, #tpu.memory_space<hbm>>
    tpu.enqueue_indirect_dma source(%dma_start3A_312 : memref<10240x128xf32, #tpu.memory_space<hbm>>) target(%arg12 : memref<128x128xf32, #tpu.memory_space<vmem>>) offsets(%arg11 : memref<128xi32, #tpu.memory_space<vmem>>) semaphore(%arg16 : memref<!tpu.dma_semaphore, #tpu.memory_space<semaphore_mem>>)
    %get3A_313 = arith.constant 0 : index
    %get3A_314 = tpu.vector_load %arg10[%get3A_313] {strides = array<i32>} : memref<128xi32, #tpu.memory_space<vmem>>, vector<16xi32>,
    %sub3A_315 = vector.broadcast %mul3A_252 : i32 to vector<16xi32>
    %sub3A_316 = arith.subi %get3A_314, %sub3A_315 : vector<16xi32>
    %ge3A_317 = arith.constant 0 : i32
    %ge3A_318 = vector.broadcast %ge3A_317 : i32 to vector<16xi32>
    %ge3A_319 = arith.cmpi sge, %sub3A_316, %ge3A_318 : vector<16xi32>
    %lt3A_320 = arith.constant 2560 : i32
    %lt3A_321 = vector.broadcast %lt3A_320 : i32 to vector<16xi32>
    %lt3A_322 = arith.cmpi slt, %sub3A_316, %lt3A_321 : vector<16xi32>
    %and3A_323 = arith.andi %ge3A_319, %lt3A_322 : vector<16xi1>
    %select_n3A_324 = arith.select %and3A_323, %sub3A_316, %add3A_9 : vector<16xi1>, vector<16xi32>
    %swap3A_325 = arith.constant 0 : index
    %swap3A_326 = tpu.vector_load %arg10[%swap3A_325] {strides = array<i32>} : memref<128xi32, #tpu.memory_space<vmem>>, vector<16xi32>,
    tpu.vector_store %arg10[%swap3A_325], %select_n3A_324 {strides = array<i32>} : memref<128xi32, #tpu.memory_space<vmem>>, vector<16xi32>,
    %get3A_327 = arith.constant 16 : index
    %get3A_328 = tpu.vector_load %arg10[%get3A_327] {strides = array<i32>} : memref<128xi32, #tpu.memory_space<vmem>>, vector<16xi32>,
    %sub3A_329 = vector.broadcast %mul3A_252 : i32 to vector<16xi32>
    %sub3A_330 = arith.subi %get3A_328, %sub3A_329 : vector<16xi32>
    %ge3A_331 = arith.constant 0 : i32
    %ge3A_332 = vector.broadcast %ge3A_331 : i32 to vector<16xi32>
    %ge3A_333 = arith.cmpi sge, %sub3A_330, %ge3A_332 : vector<16xi32>
    %lt3A_334 = arith.constant 2560 : i32
    %lt3A_335 = vector.broadcast %lt3A_334 : i32 to vector<16xi32>
    %lt3A_336 = arith.cmpi slt, %sub3A_330, %lt3A_335 : vector<16xi32>
    %and3A_337 = arith.andi %ge3A_333, %lt3A_336 : vector<16xi1>
    %select_n3A_338 = arith.select %and3A_337, %sub3A_330, %add3A_9 : vector<16xi1>, vector<16xi32>
    %swap3A_339 = arith.constant 16 : index
    %swap3A_340 = tpu.vector_load %arg10[%swap3A_339] {strides = array<i32>} : memref<128xi32, #tpu.memory_space<vmem>>, vector<16xi32>,
    tpu.vector_store %arg10[%swap3A_339], %select_n3A_338 {strides = array<i32>} : memref<128xi32, #tpu.memory_space<vmem>>, vector<16xi32>,
    %get3A_341 = arith.constant 32 : index
    %get3A_342 = tpu.vector_load %arg10[%get3A_341] {strides = array<i32>} : memref<128xi32, #tpu.memory_space<vmem>>, vector<16xi32>,
    %sub3A_343 = vector.broadcast %mul3A_252 : i32 to vector<16xi32>
    %sub3A_344 = arith.subi %get3A_342, %sub3A_343 : vector<16xi32>
    %ge3A_345 = arith.constant 0 : i32
    %ge3A_346 = vector.broadcast %ge3A_345 : i32 to vector<16xi32>
    %ge3A_347 = arith.cmpi sge, %sub3A_344, %ge3A_346 : vector<16xi32>
    %lt3A_348 = arith.constant 2560 : i32
    %lt3A_349 = vector.broadcast %lt3A_348 : i32 to vector<16xi32>
    %lt3A_350 = arith.cmpi slt, %sub3A_344, %lt3A_349 : vector<16xi32>
    %and3A_351 = arith.andi %ge3A_347, %lt3A_350 : vector<16xi1>
    %select_n3A_352 = arith.select %and3A_351, %sub3A_344, %add3A_9 : vector<16xi1>, vector<16xi32>
    %swap3A_353 = arith.constant 32 : index
    %swap3A_354 = tpu.vector_load %arg10[%swap3A_353] {strides = array<i32>} : memref<128xi32, #tpu.memory_space<vmem>>, vector<16xi32>,
    tpu.vector_store %arg10[%swap3A_353], %select_n3A_352 {strides = array<i32>} : memref<128xi32, #tpu.memory_space<vmem>>, vector<16xi32>,
    %get3A_355 = arith.constant 48 : index
    %get3A_356 = tpu.vector_load %arg10[%get3A_355] {strides = array<i32>} : memref<128xi32, #tpu.memory_space<vmem>>, vector<16xi32>,
    %sub3A_357 = vector.broadcast %mul3A_252 : i32 to vector<16xi32>
    %sub3A_358 = arith.subi %get3A_356, %sub3A_357 : vector<16xi32>
    %ge3A_359 = arith.constant 0 : i32
    %ge3A_360 = vector.broadcast %ge3A_359 : i32 to vector<16xi32>
    %ge3A_361 = arith.cmpi sge, %sub3A_358, %ge3A_360 : vector<16xi32>
    %lt3A_362 = arith.constant 2560 : i32
    %lt3A_363 = vector.broadcast %lt3A_362 : i32 to vector<16xi32>
    %lt3A_364 = arith.cmpi slt, %sub3A_358, %lt3A_363 : vector<16xi32>
    %and3A_365 = arith.andi %ge3A_361, %lt3A_364 : vector<16xi1>
    %select_n3A_366 = arith.select %and3A_365, %sub3A_358, %add3A_9 : vector<16xi1>, vector<16xi32>
    %swap3A_367 = arith.constant 48 : index
    %swap3A_368 = tpu.vector_load %arg10[%swap3A_367] {strides = array<i32>} : memref<128xi32, #tpu.memory_space<vmem>>, vector<16xi32>,
    tpu.vector_store %arg10[%swap3A_367], %select_n3A_366 {strides = array<i32>} : memref<128xi32, #tpu.memory_space<vmem>>, vector<16xi32>,
    %get3A_369 = arith.constant 64 : index
    %get3A_370 = tpu.vector_load %arg10[%get3A_369] {strides = array<i32>} : memref<128xi32, #tpu.memory_space<vmem>>, vector<16xi32>,
    %sub3A_371 = vector.broadcast %mul3A_252 : i32 to vector<16xi32>
    %sub3A_372 = arith.subi %get3A_370, %sub3A_371 : vector<16xi32>
    %ge3A_373 = arith.constant 0 : i32
    %ge3A_374 = vector.broadcast %ge3A_373 : i32 to vector<16xi32>
    %ge3A_375 = arith.cmpi sge, %sub3A_372, %ge3A_374 : vector<16xi32>
    %lt3A_376 = arith.constant 2560 : i32
    %lt3A_377 = vector.broadcast %lt3A_376 : i32 to vector<16xi32>
    %lt3A_378 = arith.cmpi slt, %sub3A_372, %lt3A_377 : vector<16xi32>
    %and3A_379 = arith.andi %ge3A_375, %lt3A_378 : vector<16xi1>
    %select_n3A_380 = arith.select %and3A_379, %sub3A_372, %add3A_9 : vector<16xi1>, vector<16xi32>
    %swap3A_381 = arith.constant 64 : index
    %swap3A_382 = tpu.vector_load %arg10[%swap3A_381] {strides = array<i32>} : memref<128xi32, #tpu.memory_space<vmem>>, vector<16xi32>,
    tpu.vector_store %arg10[%swap3A_381], %select_n3A_380 {strides = array<i32>} : memref<128xi32, #tpu.memory_space<vmem>>, vector<16xi32>,
    %get3A_383 = arith.constant 80 : index
    %get3A_384 = tpu.vector_load %arg10[%get3A_383] {strides = array<i32>} : memref<128xi32, #tpu.memory_space<vmem>>, vector<16xi32>,
    %sub3A_385 = vector.broadcast %mul3A_252 : i32 to vector<16xi32>
    %sub3A_386 = arith.subi %get3A_384, %sub3A_385 : vector<16xi32>
    %ge3A_387 = arith.constant 0 : i32
    %ge3A_388 = vector.broadcast %ge3A_387 : i32 to vector<16xi32>
    %ge3A_389 = arith.cmpi sge, %sub3A_386, %ge3A_388 : vector<16xi32>
    %lt3A_390 = arith.constant 2560 : i32
    %lt3A_391 = vector.broadcast %lt3A_390 : i32 to vector<16xi32>
    %lt3A_392 = arith.cmpi slt, %sub3A_386, %lt3A_391 : vector<16xi32>
    %and3A_393 = arith.andi %ge3A_389, %lt3A_392 : vector<16xi1>
    %select_n3A_394 = arith.select %and3A_393, %sub3A_386, %add3A_9 : vector<16xi1>, vector<16xi32>
    %swap3A_395 = arith.constant 80 : index
    %swap3A_396 = tpu.vector_load %arg10[%swap3A_395] {strides = array<i32>} : memref<128xi32, #tpu.memory_space<vmem>>, vector<16xi32>,
    tpu.vector_store %arg10[%swap3A_395], %select_n3A_394 {strides = array<i32>} : memref<128xi32, #tpu.memory_space<vmem>>, vector<16xi32>,
    %get3A_397 = arith.constant 96 : index
    %get3A_398 = tpu.vector_load %arg10[%get3A_397] {strides = array<i32>} : memref<128xi32, #tpu.memory_space<vmem>>, vector<16xi32>,
    %sub3A_399 = vector.broadcast %mul3A_252 : i32 to vector<16xi32>
    %sub3A_400 = arith.subi %get3A_398, %sub3A_399 : vector<16xi32>
    %ge3A_401 = arith.constant 0 : i32
    %ge3A_402 = vector.broadcast %ge3A_401 : i32 to vector<16xi32>
    %ge3A_403 = arith.cmpi sge, %sub3A_400, %ge3A_402 : vector<16xi32>
    %lt3A_404 = arith.constant 2560 : i32
    %lt3A_405 = vector.broadcast %lt3A_404 : i32 to vector<16xi32>
    %lt3A_406 = arith.cmpi slt, %sub3A_400, %lt3A_405 : vector<16xi32>
    %and3A_407 = arith.andi %ge3A_403, %lt3A_406 : vector<16xi1>
    %select_n3A_408 = arith.select %and3A_407, %sub3A_400, %add3A_9 : vector<16xi1>, vector<16xi32>
    %swap3A_409 = arith.constant 96 : index
    %swap3A_410 = tpu.vector_load %arg10[%swap3A_409] {strides = array<i32>} : memref<128xi32, #tpu.memory_space<vmem>>, vector<16xi32>,
    tpu.vector_store %arg10[%swap3A_409], %select_n3A_408 {strides = array<i32>} : memref<128xi32, #tpu.memory_space<vmem>>, vector<16xi32>,
    %get3A_411 = arith.constant 112 : index
    %get3A_412 = tpu.vector_load %arg10[%get3A_411] {strides = array<i32>} : memref<128xi32, #tpu.memory_space<vmem>>, vector<16xi32>,
    %sub3A_413 = vector.broadcast %mul3A_252 : i32 to vector<16xi32>
    %sub3A_414 = arith.subi %get3A_412, %sub3A_413 : vector<16xi32>
    %ge3A_415 = arith.constant 0 : i32
    %ge3A_416 = vector.broadcast %ge3A_415 : i32 to vector<16xi32>
    %ge3A_417 = arith.cmpi sge, %sub3A_414, %ge3A_416 : vector<16xi32>
    %lt3A_418 = arith.constant 2560 : i32
    %lt3A_419 = vector.broadcast %lt3A_418 : i32 to vector<16xi32>
    %lt3A_420 = arith.cmpi slt, %sub3A_414, %lt3A_419 : vector<16xi32>
    %and3A_421 = arith.andi %ge3A_417, %lt3A_420 : vector<16xi1>
    %select_n3A_422 = arith.select %and3A_421, %sub3A_414, %add3A_9 : vector<16xi1>, vector<16xi32>
    %swap3A_423 = arith.constant 112 : index
    %swap3A_424 = tpu.vector_load %arg10[%swap3A_423] {strides = array<i32>} : memref<128xi32, #tpu.memory_space<vmem>>, vector<16xi32>,
    tpu.vector_store %arg10[%swap3A_423], %select_n3A_422 {strides = array<i32>} : memref<128xi32, #tpu.memory_space<vmem>>, vector<16xi32>,
    %dma_wait3A_425 = arith.constant 0 : i32
    %dma_wait3A_426 = arith.constant 0 : i32
    %dma_wait3A_427 = tpu.memref_slice %arg2[%dma_wait3A_425, %dma_wait3A_426] : memref<10240x128xf32, #tpu.memory_space<hbm>> -> memref<10240x128xf32, #tpu.memory_space<hbm>>
    tpu.wait_indirect_dma semaphore(%arg16 : memref<!tpu.dma_semaphore, #tpu.memory_space<semaphore_mem>>) src(%dma_wait3A_427 : memref<10240x128xf32, #tpu.memory_space<hbm>>) dst(%arg12 : memref<128x128xf32, #tpu.memory_space<vmem>>)
    "tpu.region"() ({
      %run_scoped3A = tpu.sem_alloc : memref<!tpu.dma_semaphore, #tpu.memory_space<semaphore_mem>>
      %dma_start3A_429 = arith.constant 0 : i32
      %dma_start3A_430 = arith.constant 0 : i32
      %dma_start3A_431 = tpu.memref_slice %arg15[%dma_start3A_429, %dma_start3A_430] : memref<2688x128xf32, #tpu.memory_space<vmem_shared>> -> memref<2688x128xf32, #tpu.memory_space<vmem_shared>>
      tpu.enqueue_indirect_dma source(%arg12 : memref<128x128xf32, #tpu.memory_space<vmem>>) target(%dma_start3A_431 : memref<2688x128xf32, #tpu.memory_space<vmem_shared>>) offsets(%arg10 : memref<128xi32, #tpu.memory_space<vmem>>) semaphore(%run_scoped3A : memref<!tpu.dma_semaphore, #tpu.memory_space<semaphore_mem>>) {add = true}
      %dma_wait3A_432 = arith.constant 0 : i32
      %dma_wait3A_433 = arith.constant 0 : i32
      %dma_wait3A_434 = tpu.memref_slice %arg15[%dma_wait3A_432, %dma_wait3A_433] : memref<2688x128xf32, #tpu.memory_space<vmem_shared>> -> memref<2688x128xf32, #tpu.memory_space<vmem_shared>>
      tpu.wait_indirect_dma semaphore(%run_scoped3A : memref<!tpu.dma_semaphore, #tpu.memory_space<semaphore_mem>>) src(%arg12 : memref<128x128xf32, #tpu.memory_space<vmem>>) dst(%dma_wait3A_434 : memref<2688x128xf32, #tpu.memory_space<vmem_shared>>)
      tpu.yield
    }) : () -> ()
    %barrier3A_428 = arith.constant 0 : index
    tpu.barrier barrier_id(%barrier3A_428)
    "tpu.region"() ({
      %run_scoped3A = tpu.sem_alloc : memref<!tpu.dma_semaphore, #tpu.memory_space<semaphore_mem>>
      %dma_start3A_429 = arith.constant 0 : i32
      %dma_start3A_430 = arith.constant 0 : i32
      %dma_start3A_431 = tpu.memref_slice %arg8[%add3A_250, %dma_start3A_429, %dma_start3A_430] : memref<4x2560x128xf32, #tpu.memory_space<hbm>> -> memref<1x2560x128xf32, #tpu.memory_space<hbm>>
      %dma_start3A_432 = tpu.memref_squeeze %dma_start3A_431 : memref<1x2560x128xf32, #tpu.memory_space<hbm>> -> memref<2560x128xf32, #tpu.memory_space<hbm>>
      %dma_start3A_433 = arith.constant 0 : i32
      %dma_start3A_434 = tpu.memref_slice %dma_start3A_432[%mul3A_0, %dma_start3A_433] : memref<2560x128xf32, #tpu.memory_space<hbm>> -> memref<160x128xf32, #tpu.memory_space<hbm>>
      %dma_start3A_435 = arith.constant 0 : i32
      %dma_start3A_436 = tpu.memref_slice %arg15[%mul3A_0, %dma_start3A_435] : memref<2688x128xf32, #tpu.memory_space<vmem_shared>> -> memref<160x128xf32, #tpu.memory_space<vmem_shared>>
      tpu.enqueue_dma source(%dma_start3A_436 : memref<160x128xf32, #tpu.memory_space<vmem_shared>>) target(%dma_start3A_434 : memref<160x128xf32, #tpu.memory_space<hbm>>) target_semaphore(%run_scoped3A : memref<!tpu.dma_semaphore, #tpu.memory_space<semaphore_mem>>)
      %dma_wait3A_437 = arith.constant 0 : i32
      %dma_wait3A_438 = arith.constant 0 : i32
      %dma_wait3A_439 = tpu.memref_slice %arg8[%add3A_250, %dma_wait3A_437, %dma_wait3A_438] : memref<4x2560x128xf32, #tpu.memory_space<hbm>> -> memref<1x2560x128xf32, #tpu.memory_space<hbm>>
      %dma_wait3A_440 = tpu.memref_squeeze %dma_wait3A_439 : memref<1x2560x128xf32, #tpu.memory_space<hbm>> -> memref<2560x128xf32, #tpu.memory_space<hbm>>
      %dma_wait3A_441 = arith.constant 0 : i32
      %dma_wait3A_442 = tpu.memref_slice %dma_wait3A_440[%mul3A_0, %dma_wait3A_441] : memref<2560x128xf32, #tpu.memory_space<hbm>> -> memref<160x128xf32, #tpu.memory_space<hbm>>
      %dma_wait3A_443 = arith.constant 0 : i32
      %dma_wait3A_444 = tpu.memref_slice %arg15[%mul3A_0, %dma_wait3A_443] : memref<2688x128xf32, #tpu.memory_space<vmem_shared>> -> memref<160x128xf32, #tpu.memory_space<vmem_shared>>
      tpu.wait_dma2 semaphore(%run_scoped3A : memref<!tpu.dma_semaphore, #tpu.memory_space<semaphore_mem>>) src(%dma_wait3A_444 : memref<160x128xf32, #tpu.memory_space<vmem_shared>>) dst(%dma_wait3A_442 : memref<160x128xf32, #tpu.memory_space<hbm>>)
      tpu.yield
    }) : () -> ()
    "tpu.region"() ({
      %run_scoped3A = tpu.sem_alloc : memref<!tpu.dma_semaphore, #tpu.memory_space<semaphore_mem>>
      %dma_start3A_429 = arith.constant 0 : i32
      %dma_start3A_430 = arith.constant 0 : i32
      %dma_start3A_431 = arith.constant 0 : i32
      %dma_start3A_432 = tpu.memref_slice %arg9[%arg0, %dma_start3A_429, %dma_start3A_430, %dma_start3A_431] : memref<2x16x640x16xf32, #tpu.memory_space<hbm>> -> memref<1x16x640x16xf32, #tpu.memory_space<hbm>>
      %dma_start3A_433 = tpu.memref_squeeze %dma_start3A_432 : memref<1x16x640x16xf32, #tpu.memory_space<hbm>> -> memref<16x640x16xf32, #tpu.memory_space<hbm>>
      %dma_start3A_434 = arith.constant 0 : i32
      %dma_start3A_435 = arith.constant 0 : i32
      %dma_start3A_436 = tpu.memref_slice %dma_start3A_433[%arg1, %dma_start3A_434, %dma_start3A_435] : memref<16x640x16xf32, #tpu.memory_space<hbm>> -> memref<1x640x16xf32, #tpu.memory_space<hbm>>
      %dma_start3A_437 = tpu.memref_squeeze %dma_start3A_436 : memref<1x640x16xf32, #tpu.memory_space<hbm>> -> memref<640x16xf32, #tpu.memory_space<hbm>>
      %dma_start3A_438 = arith.constant 0 : i32
      %dma_start3A_439 = arith.constant 0 : i32
      %dma_start3A_440 = arith.constant 0 : i32
      %dma_start3A_441 = tpu.memref_slice %arg9[%arg0, %dma_start3A_438, %dma_start3A_439, %dma_start3A_440] : memref<2x16x640x16xf32, #tpu.memory_space<hbm>> -> memref<1x16x640x16xf32, #tpu.memory_space<hbm>>
      %dma_start3A_442 = tpu.memref_squeeze %dma_start3A_441 : memref<1x16x640x16xf32, #tpu.memory_space<hbm>> -> memref<16x640x16xf32, #tpu.memory_space<hbm>>
      %dma_start3A_443 = arith.constant 0 : i32
      %dma_start3A_444 = arith.constant 0 : i32
      %dma_start3A_445 = tpu.memref_slice %dma_start3A_442[%arg1, %dma_start3A_443, %dma_start3A_444] : memref<16x640x16xf32, #tpu.memory_space<hbm>> -> memref<1x640x16xf32, #tpu.memory_space<hbm>>
      %dma_start3A_446 = tpu.memref_squeeze %dma_start3A_445 : memref<1x640x16xf32, #tpu.memory_space<hbm>> -> memref<640x16xf32, #tpu.memory_space<hbm>>
      tpu.enqueue_dma source(%arg14 : memref<640x16xf32, #tpu.memory_space<vmem>>) target(%dma_start3A_446 : memref<640x16xf32, #tpu.memory_space<hbm>>) target_semaphore(%run_scoped3A : memref<!tpu.dma_semaphore, #tpu.memory_space<semaphore_mem>>)
      %dma_wait3A_447 = arith.constant 0 : i32
      %dma_wait3A_448 = arith.constant 0 : i32
      %dma_wait3A_449 = arith.constant 0 : i32
      %dma_wait3A_450 = tpu.memref_slice %arg9[%arg0, %dma_wait3A_447, %dma_wait3A_448, %dma_wait3A_449] : memref<2x16x640x16xf32, #tpu.memory_space<hbm>> -> memref<1x16x640x16xf32, #tpu.memory_space<hbm>>
      %dma_wait3A_451 = tpu.memref_squeeze %dma_wait3A_450 : memref<1x16x640x16xf32, #tpu.memory_space<hbm>> -> memref<16x640x16xf32, #tpu.memory_space<hbm>>
      %dma_wait3A_452 = arith.constant 0 : i32
      %dma_wait3A_453 = arith.constant 0 : i32
      %dma_wait3A_454 = tpu.memref_slice %dma_wait3A_451[%arg1, %dma_wait3A_452, %dma_wait3A_453] : memref<16x640x16xf32, #tpu.memory_space<hbm>> -> memref<1x640x16xf32, #tpu.memory_space<hbm>>
      %dma_wait3A_455 = tpu.memref_squeeze %dma_wait3A_454 : memref<1x640x16xf32, #tpu.memory_space<hbm>> -> memref<640x16xf32, #tpu.memory_space<hbm>>
      %dma_wait3A_456 = arith.constant 0 : i32
      %dma_wait3A_457 = arith.constant 0 : i32
      %dma_wait3A_458 = arith.constant 0 : i32
      %dma_wait3A_459 = tpu.memref_slice %arg9[%arg0, %dma_wait3A_456, %dma_wait3A_457, %dma_wait3A_458] : memref<2x16x640x16xf32, #tpu.memory_space<hbm>> -> memref<1x16x640x16xf32, #tpu.memory_space<hbm>>
      %dma_wait3A_460 = tpu.memref_squeeze %dma_wait3A_459 : memref<1x16x640x16xf32, #tpu.memory_space<hbm>> -> memref<16x640x16xf32, #tpu.memory_space<hbm>>
      %dma_wait3A_461 = arith.constant 0 : i32
      %dma_wait3A_462 = arith.constant 0 : i32
      %dma_wait3A_463 = tpu.memref_slice %dma_wait3A_460[%arg1, %dma_wait3A_461, %dma_wait3A_462] : memref<16x640x16xf32, #tpu.memory_space<hbm>> -> memref<1x640x16xf32, #tpu.memory_space<hbm>>
      %dma_wait3A_464 = tpu.memref_squeeze %dma_wait3A_463 : memref<1x640x16xf32, #tpu.memory_space<hbm>> -> memref<640x16xf32, #tpu.memory_space<hbm>>
      tpu.wait_dma2 semaphore(%run_scoped3A : memref<!tpu.dma_semaphore, #tpu.memory_space<semaphore_mem>>) src(%arg14 : memref<640x16xf32, #tpu.memory_space<vmem>>) dst(%dma_wait3A_464 : memref<640x16xf32, #tpu.memory_space<hbm>>)
      tpu.yield
    }) : () -> ()
    return
  }
}

module attributes {stable_mosaic.version = 14 : i64} {
  func.func @_tc_layer_body(%arg0: i32, %arg1: memref<1x1xi32, #tpu.memory_space<vmem>>, %arg2: memref<1024x128xf32, #tpu.memory_space<vmem>>, %arg3: memref<1024x128xf32, #tpu.memory_space<vmem>>, %arg4: memref<1024x1xf32, #tpu.memory_space<vmem>>, %arg5: memref<128x128xf32, #tpu.memory_space<vmem>>, %arg6: memref<1x128xf32, #tpu.memory_space<vmem>>, %arg7: memref<128x1xf32, #tpu.memory_space<vmem>>, %arg8: memref<1x1xf32, #tpu.memory_space<vmem>>, %arg9: memref<1024x128xf32, #tpu.memory_space<vmem>>, %arg10: memref<1024x1xf32, #tpu.memory_space<vmem>>) attributes {dimension_semantics = [#tpu.dimension_semantics<arbitrary>], iteration_bounds = array<i64: 10>, scalar_prefetch = 0 : i64, scratch_operands = 0 : i64, tpu.core_type = #tpu.core_type<tc>, window_params = [{pipeline_mode = #tpu.pipeline_mode<synchronous>, transform_indices = @transform_0, window_bounds = array<i64: 1, 1>}, {transform_indices = @transform_1, window_bounds = array<i64: 1024, 128>}, {transform_indices = @transform_2, window_bounds = array<i64: 1024, 128>}, {transform_indices = @transform_3, window_bounds = array<i64: 1024, 1>}, {pipeline_mode = #tpu.pipeline_mode<synchronous>, transform_indices = @transform_4, window_bounds = array<i64: 128, 128>}, {pipeline_mode = #tpu.pipeline_mode<synchronous>, transform_indices = @transform_5, window_bounds = array<i64: 1, 128>}, {pipeline_mode = #tpu.pipeline_mode<synchronous>, transform_indices = @transform_6, window_bounds = array<i64: 128, 1>}, {pipeline_mode = #tpu.pipeline_mode<synchronous>, transform_indices = @transform_7, window_bounds = array<i64: 1, 1>}, {transform_indices = @transform_8, window_bounds = array<i64: 1024, 128>}, {transform_indices = @transform_9, window_bounds = array<i64: 1024, 1>}]} {
    %get3A = arith.constant 0 : index
    %get3A_0 = arith.constant 0 : index
    %get3A_1 = vector.load %arg4[%get3A, %get3A_0] : memref<1024x1xf32, #tpu.memory_space<vmem>>, vector<1024x1xf32>
    %get3A_2 = arith.constant 0 : index
    %get3A_3 = arith.constant 0 : index
    %get3A_4 = vector.load %arg3[%get3A_2, %get3A_3] : memref<1024x128xf32, #tpu.memory_space<vmem>>, vector<1024x128xf32>
    %gt3A = arith.constant 0.000000e+00 : f32
    %gt3A_5 = vector.broadcast %gt3A : f32 to vector<1024x1xf32>
    %gt3A_6 = arith.cmpf ogt, %get3A_1, %gt3A_5 : vector<1024x1xf32>
    %jit3A = arith.constant 1.000000e+00 : f32
    %broadcast_in_dim3A = vector.broadcast %jit3A : f32 to vector<1024x1xf32>
    %select_n3A = arith.select %gt3A_6, %get3A_1, %broadcast_in_dim3A : vector<1024x1xi1>, vector<1024x1xf32>
    %div3A = vector.broadcast %select_n3A : vector<1024x1xf32> to vector<1024x128xf32>
    %div3A_7 = arith.divf %get3A_4, %div3A : vector<1024x128xf32>
    %max3A = arith.constant 0.000000e+00 : f32
    %max3A_8 = vector.broadcast %max3A : f32 to vector<1024x128xf32>
    %max3A_9 = arith.maximumf %div3A_7, %max3A_8 : vector<1024x128xf32>
    %get3A_10 = arith.constant 0 : index
    %get3A_11 = arith.constant 0 : index
    %get3A_12 = vector.load %arg1[%get3A_10, %get3A_11] : memref<1x1xi32, #tpu.memory_space<vmem>>, vector<1x1xi32>
    %get3A_13 = vector.extract %get3A_12[0, 0] : i32 from vector<1x1xi32>
    %gt3A_14 = arith.constant 0 : i32
    %gt3A_15 = arith.cmpi sgt, %get3A_13, %gt3A_14 : i32
    %get3A_16 = arith.constant 0 : index
    %get3A_17 = arith.constant 0 : index
    %get3A_18 = vector.load %arg2[%get3A_16, %get3A_17] : memref<1024x128xf32, #tpu.memory_space<vmem>>, vector<1024x128xf32>
    %select_n3A_19 = arith.select %gt3A_15, %get3A_18, %max3A_9 : vector<1024x128xf32>
    %get3A_20 = arith.constant 0 : index
    %get3A_21 = arith.constant 0 : index
    %get3A_22 = vector.load %arg5[%get3A_20, %get3A_21] : memref<128x128xf32, #tpu.memory_space<vmem>>, vector<128x128xf32>
    %dot_general3A = arith.constant dense<0.000000e+00> : vector<1024x128xf32>
    %dot_general3A_23 = tpu.matmul %select_n3A_19, %get3A_22, %dot_general3A {dimension_numbers = #tpu.dot_dimension_numbers<[1], [0], [0], [1], [0, 0, 1, 1], [], []>, transpose_lhs_hint = false} : vector<1024x128xf32>, vector<128x128xf32>, vector<1024x128xf32> -> vector<1024x128xf32>
    %get3A_24 = arith.constant 0 : index
    %get3A_25 = arith.constant 0 : index
    %get3A_26 = vector.load %arg6[%get3A_24, %get3A_25] : memref<1x128xf32, #tpu.memory_space<vmem>>, vector<1x128xf32>
    %add3A = vector.broadcast %get3A_26 : vector<1x128xf32> to vector<1024x128xf32>
    %add3A_27 = arith.addf %dot_general3A_23, %add3A : vector<1024x128xf32>
    %ge3A = arith.constant 0.000000e+00 : f32
    %ge3A_28 = vector.broadcast %ge3A : f32 to vector<1024x128xf32>
    %ge3A_29 = arith.cmpf oge, %add3A_27, %ge3A_28 : vector<1024x128xf32>
    %mul3A = arith.constant 2.000000e-01 : f32
    %mul3A_30 = vector.broadcast %mul3A : f32 to vector<1024x128xf32>
    %mul3A_31 = arith.mulf %mul3A_30, %add3A_27 : vector<1024x128xf32>
    %select_n3A_32 = arith.select %ge3A_29, %add3A_27, %mul3A_31 : vector<1024x128xi1>, vector<1024x128xf32>
    %get3A_33 = arith.constant 0 : index
    %get3A_34 = arith.constant 0 : index
    %get3A_35 = vector.load %arg7[%get3A_33, %get3A_34] : memref<128x1xf32, #tpu.memory_space<vmem>>, vector<128x1xf32>
    %get3A_36 = arith.constant 0 : index
    %get3A_37 = arith.constant 0 : index
    %get3A_38 = vector.load %arg8[%get3A_36, %get3A_37] : memref<1x1xf32, #tpu.memory_space<vmem>>, vector<1x1xf32>
    %dot_general3A_39 = arith.constant dense<0.000000e+00> : vector<1024x1xf32>
    %dot_general3A_40 = tpu.matmul %select_n3A_32, %get3A_35, %dot_general3A_39 {dimension_numbers = #tpu.dot_dimension_numbers<[1], [0], [0], [1], [0, 0, 1, 1], [], []>, transpose_lhs_hint = false} : vector<1024x128xf32>, vector<128x1xf32>, vector<1024x1xf32> -> vector<1024x1xf32>
    %add3A_41 = vector.broadcast %get3A_38 : vector<1x1xf32> to vector<1024x1xf32>
    %add3A_42 = arith.addf %dot_general3A_40, %add3A_41 : vector<1024x1xf32>
    %exp3A = math.exp %add3A_42 : vector<1024x1xf32>
    %mul3A_43 = vector.broadcast %exp3A : vector<1024x1xf32> to vector<1024x128xf32>
    %mul3A_44 = arith.mulf %select_n3A_32, %mul3A_43 : vector<1024x128xf32>
    %swap3A = arith.constant 0 : index
    %swap3A_45 = arith.constant 0 : index
    %swap3A_46 = vector.load %arg9[%swap3A, %swap3A_45] : memref<1024x128xf32, #tpu.memory_space<vmem>>, vector<1024x128xf32>
    tpu.vector_store %arg9[%swap3A, %swap3A_45], %mul3A_44 {strides = array<i32>} : memref<1024x128xf32, #tpu.memory_space<vmem>>, vector<1024x128xf32>,
    %swap3A_47 = arith.constant 0 : index
    %swap3A_48 = arith.constant 0 : index
    %swap3A_49 = vector.load %arg10[%swap3A_47, %swap3A_48] : memref<1024x1xf32, #tpu.memory_space<vmem>>, vector<1024x1xf32>
    tpu.vector_store %arg10[%swap3A_47, %swap3A_48], %exp3A {strides = array<i32>} : memref<1024x1xf32, #tpu.memory_space<vmem>>, vector<1024x1xf32>,
    return
  }
  func.func @transform_0(%arg0: i32) -> (i32, i32) {
    %c0_i32 = arith.constant 0 : i32
    %c0_i32_0 = arith.constant 0 : i32
    %c0_i32_1 = arith.constant 0 : i32
    return %c0_i32, %c0_i32_0 : i32, i32
  }
  func.func @transform_1(%arg0: i32) -> (i32, i32) {
    %c0_i32 = arith.constant 0 : i32
    %c0_i32_0 = arith.constant 0 : i32
    return %arg0, %c0_i32 : i32, i32
  }
  func.func @transform_2(%arg0: i32) -> (i32, i32) {
    %c0_i32 = arith.constant 0 : i32
    %c0_i32_0 = arith.constant 0 : i32
    return %arg0, %c0_i32 : i32, i32
  }
  func.func @transform_3(%arg0: i32) -> (i32, i32) {
    %c0_i32 = arith.constant 0 : i32
    %c0_i32_0 = arith.constant 0 : i32
    return %arg0, %c0_i32 : i32, i32
  }
  func.func @transform_4(%arg0: i32) -> (i32, i32) {
    %c0_i32 = arith.constant 0 : i32
    %c0_i32_0 = arith.constant 0 : i32
    %c0_i32_1 = arith.constant 0 : i32
    return %c0_i32, %c0_i32_0 : i32, i32
  }
  func.func @transform_5(%arg0: i32) -> (i32, i32) {
    %c0_i32 = arith.constant 0 : i32
    %c0_i32_0 = arith.constant 0 : i32
    %c0_i32_1 = arith.constant 0 : i32
    return %c0_i32, %c0_i32_0 : i32, i32
  }
  func.func @transform_6(%arg0: i32) -> (i32, i32) {
    %c0_i32 = arith.constant 0 : i32
    %c0_i32_0 = arith.constant 0 : i32
    %c0_i32_1 = arith.constant 0 : i32
    return %c0_i32, %c0_i32_0 : i32, i32
  }
  func.func @transform_7(%arg0: i32) -> (i32, i32) {
    %c0_i32 = arith.constant 0 : i32
    %c0_i32_0 = arith.constant 0 : i32
    %c0_i32_1 = arith.constant 0 : i32
    return %c0_i32, %c0_i32_0 : i32, i32
  }
  func.func @transform_8(%arg0: i32) -> (i32, i32) {
    %c0_i32 = arith.constant 0 : i32
    %c0_i32_0 = arith.constant 0 : i32
    return %arg0, %c0_i32 : i32, i32
  }
  func.func @transform_9(%arg0: i32) -> (i32, i32) {
    %c0_i32 = arith.constant 0 : i32
    %c0_i32_0 = arith.constant 0 : i32
    return %arg0, %c0_i32 : i32, i32
  }
}

module attributes {stable_mosaic.version = 14 : i64} {
  func.func @_tc_final_body(%arg0: i32, %arg1: memref<1024x128xf32, #tpu.memory_space<vmem>>, %arg2: memref<1024x1xf32, #tpu.memory_space<vmem>>, %arg3: memref<1024x128xf32, #tpu.memory_space<vmem>>) attributes {dimension_semantics = [#tpu.dimension_semantics<arbitrary>], iteration_bounds = array<i64: 10>, scalar_prefetch = 0 : i64, scratch_operands = 0 : i64, tpu.core_type = #tpu.core_type<tc>, window_params = [{transform_indices = @transform_0, window_bounds = array<i64: 1024, 128>}, {transform_indices = @transform_1, window_bounds = array<i64: 1024, 1>}, {transform_indices = @transform_2, window_bounds = array<i64: 1024, 128>}]} {
    %get3A = arith.constant 0 : index
    %get3A_0 = arith.constant 0 : index
    %get3A_1 = vector.load %arg2[%get3A, %get3A_0] : memref<1024x1xf32, #tpu.memory_space<vmem>>, vector<1024x1xf32>
    %get3A_2 = arith.constant 0 : index
    %get3A_3 = arith.constant 0 : index
    %get3A_4 = vector.load %arg1[%get3A_2, %get3A_3] : memref<1024x128xf32, #tpu.memory_space<vmem>>, vector<1024x128xf32>
    %gt3A = arith.constant 0.000000e+00 : f32
    %gt3A_5 = vector.broadcast %gt3A : f32 to vector<1024x1xf32>
    %gt3A_6 = arith.cmpf ogt, %get3A_1, %gt3A_5 : vector<1024x1xf32>
    %jit3A = arith.constant 1.000000e+00 : f32
    %broadcast_in_dim3A = vector.broadcast %jit3A : f32 to vector<1024x1xf32>
    %select_n3A = arith.select %gt3A_6, %get3A_1, %broadcast_in_dim3A : vector<1024x1xi1>, vector<1024x1xf32>
    %div3A = vector.broadcast %select_n3A : vector<1024x1xf32> to vector<1024x128xf32>
    %div3A_7 = arith.divf %get3A_4, %div3A : vector<1024x128xf32>
    %max3A = arith.constant 0.000000e+00 : f32
    %max3A_8 = vector.broadcast %max3A : f32 to vector<1024x128xf32>
    %max3A_9 = arith.maximumf %div3A_7, %max3A_8 : vector<1024x128xf32>
    %swap3A = arith.constant 0 : index
    %swap3A_10 = arith.constant 0 : index
    %swap3A_11 = vector.load %arg3[%swap3A, %swap3A_10] : memref<1024x128xf32, #tpu.memory_space<vmem>>, vector<1024x128xf32>
    tpu.vector_store %arg3[%swap3A, %swap3A_10], %max3A_9 {strides = array<i32>} : memref<1024x128xf32, #tpu.memory_space<vmem>>, vector<1024x128xf32>,
    return
  }
  func.func @transform_0(%arg0: i32) -> (i32, i32) {
    %c0_i32 = arith.constant 0 : i32
    %c0_i32_0 = arith.constant 0 : i32
    return %arg0, %c0_i32 : i32, i32
  }
  func.func @transform_1(%arg0: i32) -> (i32, i32) {
    %c0_i32 = arith.constant 0 : i32
    %c0_i32_0 = arith.constant 0 : i32
    return %arg0, %c0_i32 : i32, i32
  }
  func.func @transform_2(%arg0: i32) -> (i32, i32) {
    %c0_i32 = arith.constant 0 : i32
    %c0_i32_0 = arith.constant 0 : i32
    return %arg0, %c0_i32 : i32, i32
  }
}

</mosaic_0001>

<sc_bundles>
// kernel: closed_call.20.cloned.1.call-start
scs
__scs_entry_jumppad:
0x0: {  	(pc) =	sbr.rel $0x88, $3  }
0x1: {  	(tag) =	ssettag $0x0;
	lr =	simm.s32 $0x1  }
0x2: {  	[smem:$0x3F93] =	sst lr;
	_ =	strace $0xD0000000  }
0x3: {  	_ = 	snop  }
0x4: {  	_ = 	snop  }
0x5: {  	_ = 	snop  }
0x6: {  	_ = 	snop  }
0x7: {  	_ = 	snop  }
__scs_overlays_trampoline_lowered:
0x8: {  	[smem:$0x3FA2] =	sst s0  }
0x9: {  	[smem:$0x3FA3] =	sst s1  }
0xa: {  	[smem:$0x3FA4] =	sst s2  }
0xb: {  	[smem:$0x3FA5] =	sst s3  }
0xc: {  	[smem:$0x3FA6] =	sst s4  }
0xd: {  	[smem:$0x3FA7] =	sst s5  }
0xe: {  	[smem:$0x3FA8] =	sst s6  }
0xf: {  	[smem:$0x3FA9] =	sst s7  }
0x10: {  	[smem:$0x3FAA] =	sst s8  }
0x11: {  	[smem:$0x3FAB] =	sst s9;
	s0 =	simm.s32 @!p0 $0x0  }
0x12: {  	s1 =	sld [smem:$0x3F91];
	s0 =	simm.s32 @p0 $0x1  }
0x13: {  	[smem:$0x3FAC] =	sst s0;
	s0 =	simm.s32 @!p1 $0x0  }
0x14: {  	s2 =	sld [smem:$0x3F90];
	s0 =	simm.s32 @p1 $0x1  }
0x15: {  	[smem:$0x3FAD] =	sst s0;
	s0 =	simm.s32 @!p2 $0x0  }
0x16: {  	s3 =	sld [smem:$0x3FDB];
	s0 =	simm.s32 @p2 $0x1  }
0x17: {  	s4 =	simm.s32 $0x1BF5;
	[smem:$0x3FAF] =	sst s0  }
0x18: {  	s0 =	sld [smem:$0x3F92];
	_ =	swait.ge [sflag:s4], $0x0  }
0x19: {  	s7 =	sld [smem:$0x3F93]  }
0x1a: {  	s8 =	sadd.s32 $0xFFFFE003, lr  }
0x1b: {  	s9 =	sadd.s32 $0xFFFFFEF7, lr;
	s5 =	simm.s32 $0xFFFFFFFF;
	p2 =	slt.u32 s8, $0xFFFFF086  }
0x1c: {  	p1 =	slt.u32 s9, $0xF7A;
	s5 =	simm.s32 @!p2 $0x0  }
0x1d: {  	s5 =	simm.s32 @p1 $0x1;
	p0 =	seq.s32 s7, s2  }
0x1e: {  	s7 =	smul.u32 @!p0 $0xF7A, s2;
	p2 =	seq.s32 @!p0 s5, $0x0  }
0x1f: {  	s9 =	smul.u32 $0xF7A, s1;
	s8 =	simm.s32 @!p0 $0x1BF5;
	p2 =	por !p2, p0  }
0x20: {  	[sflag:s8] =	ssyncset.s32 @!p0 $0xFFFFF086;
	s6 =	sadd.s32 @!p0 s3, s7;
	s7 =	simm.s32 @!p0 $0x108  }
0x21: {  	s3 =	sadd.s32 s3, s9;
	s6 =	sadd.s32 @!p0 $0x88, s6;
	s7 =	simm.s32 @p2 $0x1082  }
0x22: {  	[simem:s7], [sflag:s8] =	dma.local @!p0 [hbm:s6], $0xF7A  }
0x23: {  	s9 =	sor.u32 $0xD0000000, s2;
	s6 =	simm.s32 $0x108;
	_ =	swait.ge @!p0 [sflag:s8], $0x0  }
0x24: {  	s3 =	sadd.s32 $0x88, s3;
	s6 =	simm.s32 @!p1 $0x1082;
	[sflag:s4] =	ssyncset.s32 $0xFFFFF086  }
0x25: {  	[simem:s6], [sflag:s4] =	dma.local [hbm:s3], $0xF7A  }
0x26: {  	[smem:$0x3F93] =	sst s1;
	(tag) =	ssettag s2;
	_ =	strace s9  }
0x27: {  	s1 =	sld [smem:$0x3FA3]  }
0x28: {  	s2 =	sld [smem:$0x3FA4]  }
0x29: {  	s4 =	sld [smem:$0x3FA6]  }
0x2a: {  	p0 =	seq.s32 s5, $0x0;
	s5 =	sld [smem:$0x3FA7]  }
0x2b: {  	s6 =	sld [smem:$0x3FA8]  }
0x2c: {  	s7 =	sld [smem:$0x3FA9]  }
0x2d: {  	s3 =	simm.s32 $0x108;
	s8 =	sld [smem:$0x3FAA]  }
0x2e: {  	s3 =	simm.s32 @!p0 $0x1082;
	s9 =	sld [smem:$0x3FAB]  }
0x2f: {  	lr =	sadd.s32 s0, s3;
	s0 =	sld [smem:$0x3FA2]  }
0x30: {  	s3 =	sld [smem:$0x3FA5]  }
0x31: {  	[smem:$0x3FAE] =	sst s10  }
0x32: {  	s10 =	sld [smem:$0x3FAC];
	_ =	sdelay $0x3  }
0x33: {  	p0 =	seq.s32 s10, $0x1;
	s10 =	sld [smem:$0x3FAE];
	_ =	sdelay $0x3  }
0x34: {  	[smem:$0x3FAE] =	sst s10  }
0x35: {  	s10 =	sld [smem:$0x3FAD];
	_ =	sdelay $0x3  }
0x36: {  	p1 =	seq.s32 s10, $0x1;
	s10 =	sld [smem:$0x3FAE];
	_ =	sdelay $0x3  }
0x37: {  	[smem:$0x3FAE] =	sst s10  }
0x38: {  	s10 =	sld [smem:$0x3FAF]  }
0x39: {  	_ = 	snop;
	(pc) =	sbr.ind lr, $3  }
0x3a: {  	_ = 	snop  }
0x3b: {  	_ = 	snop  }
0x3c: {  	p2 =	seq.s32 s10, $0x1;
	s10 =	sld [smem:$0x3FAE]  }
0x3d: {  	_ =	shalt  }
0x3e: {  	_ =	shalt  }
0x3f: {  	_ =	shalt  }
0x40: {  	_ =	shalt  }
0x41: {  	_ =	shalt  }
0x42: {  	_ =	shalt  }
0x43: {  	_ =	shalt  }
0x44: {  	_ =	shalt  }
0x45: {  	_ =	shalt  }
0x46: {  	_ =	shalt  }
0x47: {  	_ =	shalt  }
0x48: {  	_ =	shalt  }
0x49: {  	_ =	shalt  }
0x4a: {  	_ =	shalt  }
0x4b: {  	_ =	shalt  }
0x4c: {  	_ =	shalt  }
0x4d: {  	_ =	shalt  }
0x4e: {  	_ =	shalt  }
0x4f: {  	_ =	shalt  }
0x50: {  	_ =	shalt  }
0x51: {  	_ =	shalt  }
0x52: {  	_ =	shalt  }
0x53: {  	_ =	shalt  }
0x54: {  	_ =	shalt  }
0x55: {  	_ =	shalt  }
0x56: {  	_ =	shalt  }
0x57: {  	_ =	shalt  }
0x58: {  	_ =	shalt  }
0x59: {  	_ =	shalt  }
0x5a: {  	_ =	shalt  }
0x5b: {  	_ =	shalt  }
0x5c: {  	_ =	shalt  }
0x5d: {  	_ =	shalt  }
0x5e: {  	_ =	shalt  }
0x5f: {  	_ =	shalt  }
0x60: {  	_ =	shalt  }
0x61: {  	_ =	shalt  }
0x62: {  	_ =	shalt  }
0x63: {  	_ =	shalt  }
0x64: {  	_ =	shalt  }
0x65: {  	_ =	shalt  }
0x66: {  	_ =	shalt  }
0x67: {  	_ =	shalt  }
0x68: {  	_ =	shalt  }
0x69: {  	_ =	shalt  }
0x6a: {  	_ =	shalt  }
0x6b: {  	_ =	shalt  }
0x6c: {  	_ =	shalt  }
0x6d: {  	_ =	shalt  }
0x6e: {  	_ =	shalt  }
0x6f: {  	_ =	shalt  }
0x70: {  	_ =	shalt  }
0x71: {  	_ =	shalt  }
0x72: {  	_ =	shalt  }
0x73: {  	_ =	shalt  }
0x74: {  	_ =	shalt  }
0x75: {  	_ =	shalt  }
0x76: {  	_ =	shalt  }
0x77: {  	_ =	shalt  }
0x78: {  	_ =	shalt  }
0x79: {  	_ =	shalt  }
0x7a: {  	_ =	shalt  }
0x7b: {  	_ =	shalt  }
0x7c: {  	_ =	shalt  }
0x7d: {  	_ =	shalt  }
0x7e: {  	_ =	shalt  }
0x7f: {  	_ =	shalt  }
0x80: {  	_ =	shalt  }
0x81: {  	_ =	shalt  }
0x82: {  	_ =	shalt  }
0x83: {  	_ =	shalt  }
0x84: {  	_ =	shalt  }
0x85: {  	_ =	shalt  }
0x86: {  	_ =	shalt  }
0x87: {  	_ =	shalt  }
.Lfunc_end0:
.L_simem_size_0:
called_computation_lowered:
.L_overlay_start_0:
0x88: {  	s2 =	sld [smem:$0x3FD9]  }
0x89: {  	s3 =	sld [smem:$0x3FFE];
	_ =	sdelay $0x1  }
0x8a: {  	s1 =	srdreg.scid  }
0x8b: {  	s0 =	sand.u32 $0x1, s1  }
0x8c: {  	s17 =	sshll.u32 s0, $0xA;
	s2 =	sadd.s32 s3, s2  }
0x8d: {  	s2 =	sadd.s32 s2, s17  }
0x8e: {  	[smem:$0x3FBA] =	sst s2  }
0x8f: {  	_ = 	snop  }
0x90: {  	s2 =	sld [smem:$0x3FD0];
	(tm) =	ssettm $0x1  }
0x91: {  	s18 =	sld [smem:$0x3FFB];
	_ =	sdelay $0x3  }
0x92: {  	_ =	strace s18  }
0x93: {  	s3 =	sld [smem:$0x3FFC];
	_ =	sdelay $0x3  }
0x94: {  	_ =	strace s3  }
0x95: {  	s3 =	sld [smem:$0x3FFD];
	_ =	sdelay $0x3  }
0x96: {  	_ =	strace s3  }
0x97: {  	_ =	strace $0x8FFFFFFF  }
0x98: {  	s19 =	sld [smem:$0x3FDB];
	_ =	sdelay $0x1  }
0x99: {  	s4 =	simm.s32 $_scs_section_size  }
0x9a: {  	s5 =	simm.s32 $_size__tile_overlayer_lowered;
	s6 =	simm.s32 $_tile_overlayer_lowered  }
0x9b: {  	s22 =	simm.s32 $0x1BFF;
	s21 =	sshll.u32 s6, $0x1;
	s3 =	sadd.s32 s4, s19  }
0x9c: {  	s7 =	simm.s32 $0x0;
	s20 =	sshll.u32 s5, $0x1;
	s5 =	sadd.s32 s21, s3  }
0x9d: {  	[timem:s7], [sflag:s22] =	dma.local [hbm:s5], s20  }
0x9e: {  	_ =	swait.ge [sflag:s22], s20  }
0x9f: {  	s4 =	ssub.s32 $0x0, s20;
	[sflag:s22] =	ssyncset.done $0x0  }
0xa0: {  	[sflag:s22] =	ssyncadd.s32 s4;
	_ =	sdelay $0x1  }
0xa1: {  	s23 =	simm.s32 $0x1B8B  }
0xa2: {  	_ =	swait.ge [sflag:s23], $0x1  }
0xa3: {  	[sflag:s23] =	ssyncset.done $0x0  }
0xa4: {  	s25 =	simm.s32 $0x1B8E;
	s24 =	sld [smem:$0x3FFE];
	[sflag:s23] =	ssyncadd.s32 $0xFFFFFFFF  }
0xa5: {  	s26 =	simm.s32 $execute0_lowered;
	[smem:$0x3FD2] =	sst s25  }
0xa6: {  	s5 =	sshll.u32 s26, $0x1;
	_ =	strace $0x80000046;
	[dreg:$0x1] =	wrdreg $0xFFFFFFFF  }
0xa7: {  	s28 =	simm.s32 $_size_execute0_lowered;
	s3 =	sadd.s32 s3, s5;
	[dreg:$0x0] =	wrdreg $0x0  }
0xa8: {  	s5 =	sshll.u32 s28, $0x1;
	[dreg:$0x2] =	wrdreg s3  }
0xa9: {  	[dreg:$0x3] =	wrdreg s5  }
0xaa: {  	[dreg:$0x4] =	wrdreg $0xC0  }
0xab: {  	_ =	task [dreg:s7], $0x5FFFF  }
0xac: {  	[dreg:$0x1] =	wrdreg $0xFFFFFFFF  }
0xad: {  	[dreg:$0x0] =	wrdreg $0x60  }
0xae: {  	[dreg:$0x2] =	wrdreg s24  }
0xaf: {  	[dreg:$0x3] =	wrdreg s2  }
0xb0: {  	[dreg:$0x4] =	wrdreg $0x1A9000  }
0xb1: {  	[dreg:$0x5] =	wrdreg $0x9  }
0xb2: {  	_ =	task.clear_ibuf [dreg:s7], $0x6FFFF;
	_ =	strace $0x90000046  }
0xb3: {  	s29 =	simm.s32 $0x9;
	_ =	strace $0x80000048  }
0xb4: {  	_ =	swait.ge [sflag:s29], $0x1  }
0xb5: {  	[sflag:s29] =	ssyncadd.s32 $0xFFFFFFFF  }
0xb6: {  	_ =	strace $0x90000048  }
0xb7: {  	_ =	sfence  }
0xb8: {  	s30 =	sld [smem:$0x0];
	_ =	sdelay $0x2  }
0xb9: {  	s31 =	sshll.u32 s1, $0xD;
	s1 =	sshrl.u32 s1, $0x2  }
0xba: {  	s3 =	sand.u32 $0x4000, s31;
	s1 =	sadd.s32 s1, s30  }
0xbb: {  	s0 =	sor.u32 s3, s0;
	s1 =	sshll.u32 s1, $0x11  }
0xbc: {  	s0 =	sor.u32 s1, s0  }
0xbd: {  	s0 =	sadd.s32 $0x8F2B, s0  }
0xbe: {  	[sflag:s0] =	ssyncadd.remote.s32 $0x1  }
0xbf: {  	_ =	sfence.sel $0xFFFF  }
0xc0: {  	[dreg:$0x0] =	wrdreg $0xFFFFFFFF;
	(pc) =	sbr.abs _section_cstart, $3  }
0xc1: {  	[dreg:$0x1] =	wrdreg $0xFFFFFFFF  }
0xc2: {  	_ =	task.clear_ibuf [dreg:s7], $0x2FFFF;
	_ =	strace $0x9FFFFFFF  }
0xc3: {  	(tm) =	ssettm $0x7FFFFFFF  }
tec
execute0_lowered:
.L_overlay_start_1:
0x0: {  	(tag) =	ssettag $0x1  }
0x1: {  	s8 =	rddreg [dreg:$0x0];
	s5 =	srdreg.scid  }
0x2: {  	s13 =	rddreg [dreg:$0x1];
	s9 =	sand.u32 $0x1, s5  }
0x3: {  	s5 =	stileid.u32;
	s10 =	smul.u32 $0x28000, s9  }
0x4: {  	s1 =	rddreg [dreg:$0x2];
	s15 =	smul.u32 $0x4E20, s5  }
0x5: {  	s0 =	rddreg [dreg:$0x3];
	s2 =	simm.s32 $0x0;
	s25 =	smul.u32 $0x14000, s5  }
0x6: {  	[smem:$0x7FF] =	sst s2;
	s18 =	smul.u32 $0xA00, s9  }
0x7: {  	s3 =	sadd.s32 $0xB400, s8;
	s4 =	sadd.s32 $0x33400, s8;
	s17 =	smul.u32 $0xA000, s9  }
0x8: {  	s12 =	sadd.s32 $0x1600, s8;
	s6 =	sadd.s32 $0x36200, s8;
	s21 =	smul.u32 $0xA00, s5  }
0x9: {  	s7 =	sadd.s32 $0x33A00, s8;
	s30 =	sor.u32 $0x2, s9;
	s31 =	smul.u32 $0x9C4, s5  }
0xa: {  	s11 =	sadd.s32 $0x86C00, s8;
	_ =	strace $0x80000047;
	s20 =	smul.u32 $0xA000, s30  }
0xb: {  	s14 =	ssub.s32 $0x2, s9;
	s26 =	sshll.u32 s5, $0x3;
	s22 =	smul.u32 $0xA00, s30  }
0xc: {  	s24 =	sshrl.u32 s14, $0x1;
	s19 =	sor.u32 $0xA00, s26;
	s26 =	smul.u32 $0x2800, s5  }
0xd: {  	v0 =	vlaneseq.u32;
	s16 =	sadd.s32 s10, s8;
	s14 =	ssub.s32 s14, s24;
	s28 =	sshrl.u32 s25, $0x2  }
0xe: {  	v0 =	vand.u32 $0x7, v0;
	s29 =	sshrl.u32 s15, $0x3;
	s23 =	sadd.s32 s11, s17;
	s15 =	simm.s32 $0x2  }
0xf: {  	s17 =	simm.s32 $0x80;
	v0 =	vor.u32 s19, v0;
	v1 =	vmov s18;
	s18 =	simm.s32 $0x100;
	s19 =	simm.s32 $0x1  }
0x10: {  	s8 =	sadd.s32 s28, s1;
	s10 =	sadd.s32 $0x9C0, s29;
	s24 =	sadd.s32 s11, s20  }
0x11: {  	s25 =	sadd.s32 $0x36C00, s16;
	s11 =	smax.u32 s14, $0x1;
	s14 =	simm.s32 $0x6900  }
0x12: {  	s16 =	simm.s32 $0x4100;
	s20 =	sadd.s32 s21, s23;
	s23 =	simm.s32 $0x0  }
0x13: {  	s9 =	sadd.s32 s13, s10;
	s10 =	sadd.s32 s12, s10;
	s12 =	sadd.s32 s31, s12  }
0x14: {  	v3 =	vimm.s32 $0x2710;
	v4 =	vimm.s32 $0x0;
	v2 =	vmov s22;
	s13 =	sadd.s32 s31, s13;
	s21 =	sadd.s32 s21, s24;
	s22 =	sadd.s32 s26, s25  }
.LBB2_1:
0x15: {  	[tilespmem:s14], [sflag:$0x2] =	stream.linear.gather [hbm4b:s7+s2], $0x14000, $0x38;
	[tilespmem:$0x1FD00] =	vst v63  }
0x16: {  	_ =	swait.ge [sflag:s15], $0x14000  }
0x17: {  	[sflag:s15] =	ssyncset.done $0x0  }
0x18: {  	[sflag:s15] =	ssyncadd.s32 $0xFFFEC000  }
0x19: {  	[tilespmem:s16], [sflag:$0x2] =	stream.linear.gather [hbm4b:s4+s2], $0x2800, $0x38;
	[tilespmem:$0x1FD00] =	vst v63  }
0x1a: {  	_ =	swait.ge [sflag:s15], $0x2800  }
0x1b: {  	s24 =	sshll.u32 s5, $0x6;
	[sflag:s15] =	ssyncset.done $0x0  }
0x1c: {  	s25 =	sshrl.u32 s8, $0x3;
	s24 =	sor.u32 $0x1C02, s24;
	[sflag:s15] =	ssyncadd.s32 $0xFFFFD800  }
0x1d: {  	[spmem:s25], [sflag:s24] =	dma.local [hbm:s6], $0xA00  }
0x1e: {  	_ =	swait.ge [sflag:s15], $0xA00  }
0x1f: {  	[sflag:s15] =	ssyncset.done $0x0  }
0x20: {  	[sflag:s15] =	ssyncadd.s32 $0xFFFFF600  }
0x21: {  	s26 =	simm.s32 $0x0;
	[bflag:$0x0] =	sbarrier.arrive $0xFFFF  }
.LBB2_2:
0x22: {  	s28 =	sadd.s32 s26, s13  }
0x23: {  	[tilespmem:s2], [sflag:$0x2] =	stream.linear.gather [hbm4b:s28+s2], $0x80, $0x38;
	[tilespmem:$0x1FD00] =	vst v63  }
0x24: {  	_ =	swait.ge [sflag:s15], $0x80  }
0x25: {  	[sflag:s15] =	ssyncset.done $0x0  }
0x26: {  	s31 =	sadd.s32 s26, s12;
	[sflag:s15] =	ssyncadd.s32 $0xFFFFFF80  }
0x27: {  	[tilespmem:s17], [sflag:$0x2] =	stream.linear.gather [hbm4b:s31+s2], $0x80, $0x38;
	[tilespmem:$0x1FD00] =	vst v63  }
0x28: {  	_ =	swait.ge [sflag:s15], $0x80  }
0x29: {  	[sflag:s15] =	ssyncset.done $0x0  }
0x2a: {  	[sflag:s15] =	ssyncadd.s32 $0xFFFFFF80  }
0x2b: {  	[tilespmem:s18], [sflag:$0x1] =	stream.indirect.gather [hbm4b:s3+s17], $0x80, s17, s17, $0xb8;
	[tilespmem:$0x1FD00] =	vst v63  }
0x2c: {  	v5 =	vld [tilespmem:$0x80]  }
0x2d: {  	v6 =	vld [tilespmem:$0x0];
	_ =	sdelay $0x4  }
0x2e: {  	v7 =	vshll.u32 v6, $0x3  }
0x2f: {  	v8 =	vand.u32 $0xF, v6;
	v7 =	vand.u32 $0xFFFFFF80, v7  }
0x30: {  	v7 =	vor.u32 v8, v7;
	v5 =	vld.idx.msk [tilespmem:v5+s16+$0x0], $0xffff;
	_ =	sdelay $0x4  }
0x31: {  	[tilespmem:v7+s14+$0x0] =	vst.idx.add.f32.msk $0xffff, v5  }
0x32: {  	v5 =	vld [tilespmem:$0x90]  }
0x33: {  	v7 =	vld [tilespmem:$0x10];
	_ =	sdelay $0x2  }
0x34: {  	v6 =	vsub.s32 v6, v1  }
0x35: {  	vm0 =	vlt.u32 v6, $0xA00  }
0x36: {  	v6 =	vsel vm0, v6, v0;
	v57 =	vshll.u32 v7, $0x3  }
0x37: {  	[tilespmem:$0x0] =	vst v6;
	v6 =	vand.u32 $0xF, v7;
	v8 =	vand.u32 $0xFFFFFF80, v57  }
0x38: {  	v6 =	vor.u32 v6, v8;
	v5 =	vld.idx.msk [tilespmem:v5+s16+$0x0], $0xffff;
	_ =	sdelay $0x4  }
0x39: {  	[tilespmem:v6+s14+$0x0] =	vst.idx.add.f32.msk $0xffff, v5  }
0x3a: {  	v5 =	vld [tilespmem:$0xA0]  }
0x3b: {  	v6 =	vld [tilespmem:$0x20];
	_ =	sdelay $0x2  }
0x3c: {  	v7 =	vsub.s32 v7, v1  }
0x3d: {  	vm9 =	vlt.u32 v7, $0xA00  }
0x3e: {  	v7 =	vsel vm9, v7, v0;
	v58 =	vshll.u32 v6, $0x3  }
0x3f: {  	[tilespmem:$0x10] =	vst v7;
	v7 =	vand.u32 $0xF, v6;
	v8 =	vand.u32 $0xFFFFFF80, v58  }
0x40: {  	v7 =	vor.u32 v7, v8;
	v5 =	vld.idx.msk [tilespmem:v5+s16+$0x0], $0xffff;
	_ =	sdelay $0x4  }
0x41: {  	[tilespmem:v7+s14+$0x0] =	vst.idx.add.f32.msk $0xffff, v5  }
0x42: {  	v5 =	vld [tilespmem:$0xB0]  }
0x43: {  	v7 =	vld [tilespmem:$0x30];
	_ =	sdelay $0x2  }
0x44: {  	v6 =	vsub.s32 v6, v1  }
0x45: {  	vm10 =	vlt.u32 v6, $0xA00  }
0x46: {  	v6 =	vsel vm10, v6, v0;
	v59 =	vshll.u32 v7, $0x3  }
0x47: {  	[tilespmem:$0x20] =	vst v6;
	v6 =	vand.u32 $0xF, v7;
	v8 =	vand.u32 $0xFFFFFF80, v59  }
0x48: {  	v6 =	vor.u32 v6, v8;
	v5 =	vld.idx.msk [tilespmem:v5+s16+$0x0], $0xffff;
	_ =	sdelay $0x4  }
0x49: {  	[tilespmem:v6+s14+$0x0] =	vst.idx.add.f32.msk $0xffff, v5  }
0x4a: {  	v5 =	vld [tilespmem:$0xC0]  }
0x4b: {  	v6 =	vld [tilespmem:$0x40];
	_ =	sdelay $0x2  }
0x4c: {  	v7 =	vsub.s32 v7, v1  }
0x4d: {  	vm11 =	vlt.u32 v7, $0xA00  }
0x4e: {  	v7 =	vsel vm11, v7, v0;
	v60 =	vshll.u32 v6, $0x3  }
0x4f: {  	[tilespmem:$0x30] =	vst v7;
	v7 =	vand.u32 $0xF, v6;
	v8 =	vand.u32 $0xFFFFFF80, v60  }
0x50: {  	v7 =	vor.u32 v7, v8;
	v5 =	vld.idx.msk [tilespmem:v5+s16+$0x0], $0xffff;
	_ =	sdelay $0x4  }
0x51: {  	[tilespmem:v7+s14+$0x0] =	vst.idx.add.f32.msk $0xffff, v5  }
0x52: {  	v5 =	vld [tilespmem:$0xD0]  }
0x53: {  	v7 =	vld [tilespmem:$0x50];
	_ =	sdelay $0x2  }
0x54: {  	v6 =	vsub.s32 v6, v1  }
0x55: {  	vm12 =	vlt.u32 v6, $0xA00  }
0x56: {  	v6 =	vsel vm12, v6, v0;
	v61 =	vshll.u32 v7, $0x3  }
0x57: {  	[tilespmem:$0x40] =	vst v6;
	v6 =	vand.u32 $0xF, v7;
	v8 =	vand.u32 $0xFFFFFF80, v61  }
0x58: {  	v6 =	vor.u32 v6, v8;
	v5 =	vld.idx.msk [tilespmem:v5+s16+$0x0], $0xffff;
	_ =	sdelay $0x4  }
0x59: {  	[tilespmem:v6+s14+$0x0] =	vst.idx.add.f32.msk $0xffff, v5  }
0x5a: {  	v5 =	vld [tilespmem:$0xE0]  }
0x5b: {  	v6 =	vld [tilespmem:$0x60];
	_ =	sdelay $0x2  }
0x5c: {  	v7 =	vsub.s32 v7, v1  }
0x5d: {  	vm13 =	vlt.u32 v7, $0xA00  }
0x5e: {  	v7 =	vsel vm13, v7, v0;
	v62 =	vshll.u32 v6, $0x3  }
0x5f: {  	[tilespmem:$0x50] =	vst v7;
	v7 =	vand.u32 $0xF, v6;
	v8 =	vand.u32 $0xFFFFFF80, v62  }
0x60: {  	v7 =	vor.u32 v7, v8;
	v5 =	vld.idx.msk [tilespmem:v5+s16+$0x0], $0xffff;
	_ =	sdelay $0x4  }
0x61: {  	[tilespmem:v7+s14+$0x0] =	vst.idx.add.f32.msk $0xffff, v5  }
0x62: {  	v5 =	vld [tilespmem:$0xF0]  }
0x63: {  	v7 =	vld [tilespmem:$0x70];
	_ =	sdelay $0x2  }
0x64: {  	v6 =	vsub.s32 v6, v1  }
0x65: {  	vm14 =	vlt.u32 v6, $0xA00  }
0x66: {  	v6 =	vsel vm14, v6, v0;
	v63 =	vshll.u32 v7, $0x3  }
0x67: {  	[tilespmem:$0x60] =	vst v6;
	v6 =	vand.u32 $0xF, v7;
	v8 =	vand.u32 $0xFFFFFF80, v63  }
0x68: {  	v6 =	vor.u32 v6, v8;
	v5 =	vld.idx.msk [tilespmem:v5+s16+$0x0], $0xffff;
	_ =	sdelay $0x2  }
0x69: {  	v7 =	vsub.s32 v7, v1  }
0x6a: {  	vm15 =	vlt.u32 v7, $0xA00  }
0x6b: {  	[tilespmem:v6+s14+$0x0] =	vst.idx.add.f32.msk $0xffff, v5;
	v5 =	vsel vm15, v7, v0  }
0x6c: {  	[tilespmem:$0x70] =	vst v5  }
0x6d: {  	_ =	swait.ge [sflag:s19], $0x4000  }
0x6e: {  	p0 =	sne.s32 s26, $0x9B0;
	[sflag:s19] =	ssyncset.done $0x0  }
.Ltmp0:
0x6f: {  	[sflag:s19] =	ssyncadd.s32 $0xFFFFC000;
	(pc) =	sbr.rel @p0 .LBB2_2-.Ltmp0, $4  }
0x70: {  	[spmem:s1] =	stream.indirect.scatter.add.f32 [tilespmem:s18], [sflag:$0x2], $0x80, s2, s17, $0xb8;
	[tilespmem:$0x1FD00] =	vst v63  }
0x71: {  	_ =	swait.ge [sflag:s15], $0x4000  }
0x72: {  	[sflag:s15] =	ssyncset.done $0x0  }
0x73: {  	s26 =	sadd.s32 $0x10, s26;
	[sflag:s15] =	ssyncadd.s32 $0xFFFFC000  }
0x74: {  	s26 =	simm.s32 $0x0  }
0x75: {  	[tilespmem:s26], [sflag:$0x2] =	stream.linear.gather [hbm4b:s9+s26], $0x20, $0x38;
	[tilespmem:$0x1FD00] =	vst v63  }
0x76: {  	_ =	swait.ge [sflag:s15], $0x20  }
0x77: {  	[sflag:s15] =	ssyncset.done $0x0  }
0x78: {  	[sflag:s15] =	ssyncadd.s32 $0xFFFFFFE0  }
0x79: {  	[tilespmem:s17], [sflag:$0x2] =	stream.linear.gather [hbm4b:s10+s26], $0x20, $0x38;
	[tilespmem:$0x1FD00] =	vst v63  }
0x7a: {  	_ =	swait.ge [sflag:s15], $0x20  }
0x7b: {  	[sflag:s15] =	ssyncset.done $0x0  }
0x7c: {  	[sflag:s15] =	ssyncadd.s32 $0xFFFFFFE0  }
0x7d: {  	[tilespmem:$0x20] =	vst v3  }
0x7e: {  	[tilespmem:$0xA0] =	vst v4  }
0x7f: {  	[tilespmem:$0x30] =	vst v3  }
0x80: {  	[tilespmem:$0xB0] =	vst v4  }
0x81: {  	[tilespmem:$0x40] =	vst v3  }
0x82: {  	[tilespmem:$0xC0] =	vst v4  }
0x83: {  	[tilespmem:$0x50] =	vst v3  }
0x84: {  	[tilespmem:$0xD0] =	vst v4  }
0x85: {  	[tilespmem:$0x60] =	vst v3  }
0x86: {  	[tilespmem:$0xE0] =	vst v4  }
0x87: {  	[tilespmem:$0x70] =	vst v3  }
0x88: {  	[tilespmem:$0xF0] =	vst v4  }
0x89: {  	[tilespmem:s18], [sflag:$0x1] =	stream.indirect.gather [hbm4b:s3+s17], $0x80, s17, s17, $0xb8;
	[tilespmem:$0x1FD00] =	vst v63  }
0x8a: {  	v5 =	vld [tilespmem:$0x80]  }
0x8b: {  	v6 =	vld [tilespmem:$0x0];
	_ =	sdelay $0x4  }
0x8c: {  	v7 =	vshll.u32 v6, $0x3  }
0x8d: {  	v8 =	vand.u32 $0xF, v6;
	v7 =	vand.u32 $0xFFFFFF80, v7  }
0x8e: {  	v7 =	vor.u32 v8, v7;
	v5 =	vld.idx.msk [tilespmem:v5+s16+$0x0], $0xffff;
	_ =	sdelay $0x4  }
0x8f: {  	[tilespmem:v7+s14+$0x0] =	vst.idx.add.f32.msk $0xffff, v5  }
0x90: {  	v5 =	vld [tilespmem:$0x90]  }
0x91: {  	v7 =	vld [tilespmem:$0x10];
	_ =	sdelay $0x2  }
0x92: {  	v6 =	vsub.s32 v6, v1  }
0x93: {  	vm0 =	vlt.u32 v6, $0xA00  }
0x94: {  	v6 =	vsel vm0, v6, v0;
	v55 =	vshll.u32 v7, $0x3  }
0x95: {  	[tilespmem:$0x0] =	vst v6;
	v6 =	vand.u32 $0xF, v7;
	v8 =	vand.u32 $0xFFFFFF80, v55  }
0x96: {  	v6 =	vor.u32 v6, v8;
	v5 =	vld.idx.msk [tilespmem:v5+s16+$0x0], $0xffff;
	_ =	sdelay $0x4  }
0x97: {  	[tilespmem:v6+s14+$0x0] =	vst.idx.add.f32.msk $0xffff, v5  }
0x98: {  	v5 =	vld [tilespmem:$0xA0]  }
0x99: {  	v6 =	vld [tilespmem:$0x20];
	_ =	sdelay $0x2  }
0x9a: {  	v7 =	vsub.s32 v7, v1  }
0x9b: {  	vm14 =	vlt.u32 v7, $0xA00  }
0x9c: {  	v7 =	vsel vm14, v7, v0;
	v56 =	vshll.u32 v6, $0x3  }
0x9d: {  	[tilespmem:$0x10] =	vst v7;
	v7 =	vand.u32 $0xF, v6;
	v8 =	vand.u32 $0xFFFFFF80, v56  }
0x9e: {  	v7 =	vor.u32 v7, v8;
	v5 =	vld.idx.msk [tilespmem:v5+s16+$0x0], $0xffff;
	_ =	sdelay $0x4  }
0x9f: {  	[tilespmem:v7+s14+$0x0] =	vst.idx.add.f32.msk $0xffff, v5  }
0xa0: {  	v5 =	vld [tilespmem:$0xB0]  }
0xa1: {  	v7 =	vld [tilespmem:$0x30];
	_ =	sdelay $0x2  }
0xa2: {  	v6 =	vsub.s32 v6, v1  }
0xa3: {  	vm15 =	vlt.u32 v6, $0xA00  }
0xa4: {  	v6 =	vsel vm15, v6, v0;
	v57 =	vshll.u32 v7, $0x3  }
0xa5: {  	[tilespmem:$0x20] =	vst v6;
	v6 =	vand.u32 $0xF, v7;
	v8 =	vand.u32 $0xFFFFFF80, v57  }
0xa6: {  	v6 =	vor.u32 v6, v8;
	v5 =	vld.idx.msk [tilespmem:v5+s16+$0x0], $0xffff;
	_ =	sdelay $0x4  }
0xa7: {  	[tilespmem:v6+s14+$0x0] =	vst.idx.add.f32.msk $0xffff, v5  }
0xa8: {  	v5 =	vld [tilespmem:$0xC0]  }
0xa9: {  	v6 =	vld [tilespmem:$0x40];
	_ =	sdelay $0x2  }
0xaa: {  	v7 =	vsub.s32 v7, v1  }
0xab: {  	vm4 =	vlt.u32 v7, $0xA00  }
0xac: {  	v7 =	vsel vm4, v7, v0;
	v58 =	vshll.u32 v6, $0x3  }
0xad: {  	[tilespmem:$0x30] =	vst v7;
	v7 =	vand.u32 $0xF, v6;
	v8 =	vand.u32 $0xFFFFFF80, v58  }
0xae: {  	v7 =	vor.u32 v7, v8;
	v5 =	vld.idx.msk [tilespmem:v5+s16+$0x0], $0xffff;
	_ =	sdelay $0x4  }
0xaf: {  	[tilespmem:v7+s14+$0x0] =	vst.idx.add.f32.msk $0xffff, v5  }
0xb0: {  	v5 =	vld [tilespmem:$0xD0]  }
0xb1: {  	v7 =	vld [tilespmem:$0x50];
	_ =	sdelay $0x2  }
0xb2: {  	v6 =	vsub.s32 v6, v1  }
0xb3: {  	vm5 =	vlt.u32 v6, $0xA00  }
0xb4: {  	v6 =	vsel vm5, v6, v0;
	v59 =	vshll.u32 v7, $0x3  }
0xb5: {  	[tilespmem:$0x40] =	vst v6;
	v6 =	vand.u32 $0xF, v7;
	v8 =	vand.u32 $0xFFFFFF80, v59  }
0xb6: {  	v6 =	vor.u32 v6, v8;
	v5 =	vld.idx.msk [tilespmem:v5+s16+$0x0], $0xffff;
	_ =	sdelay $0x4  }
0xb7: {  	[tilespmem:v6+s14+$0x0] =	vst.idx.add.f32.msk $0xffff, v5  }
0xb8: {  	v5 =	vld [tilespmem:$0xE0]  }
0xb9: {  	v6 =	vld [tilespmem:$0x60];
	_ =	sdelay $0x2  }
0xba: {  	v7 =	vsub.s32 v7, v1  }
0xbb: {  	vm6 =	vlt.u32 v7, $0xA00  }
0xbc: {  	v7 =	vsel vm6, v7, v0;
	v60 =	vshll.u32 v6, $0x3  }
0xbd: {  	[tilespmem:$0x50] =	vst v7;
	v7 =	vand.u32 $0xF, v6;
	v8 =	vand.u32 $0xFFFFFF80, v60  }
0xbe: {  	v7 =	vor.u32 v7, v8;
	v5 =	vld.idx.msk [tilespmem:v5+s16+$0x0], $0xffff;
	_ =	sdelay $0x4  }
0xbf: {  	[tilespmem:v7+s14+$0x0] =	vst.idx.add.f32.msk $0xffff, v5  }
0xc0: {  	v5 =	vld [tilespmem:$0xF0]  }
0xc1: {  	v7 =	vld [tilespmem:$0x70];
	_ =	sdelay $0x2  }
0xc2: {  	v6 =	vsub.s32 v6, v1  }
0xc3: {  	vm7 =	vlt.u32 v6, $0xA00  }
0xc4: {  	v6 =	vsel vm7, v6, v0;
	v61 =	vshll.u32 v7, $0x3  }
0xc5: {  	[tilespmem:$0x60] =	vst v6;
	v6 =	vand.u32 $0xF, v7;
	v8 =	vand.u32 $0xFFFFFF80, v61  }
0xc6: {  	v6 =	vor.u32 v6, v8;
	v5 =	vld.idx.msk [tilespmem:v5+s16+$0x0], $0xffff;
	_ =	sdelay $0x2  }
0xc7: {  	v7 =	vsub.s32 v7, v1  }
0xc8: {  	vm8 =	vlt.u32 v7, $0xA00  }
0xc9: {  	[tilespmem:v6+s14+$0x0] =	vst.idx.add.f32.msk $0xffff, v5;
	v5 =	vsel vm8, v7, v0  }
0xca: {  	[tilespmem:$0x70] =	vst v5  }
0xcb: {  	_ =	swait.ge [sflag:s19], $0x4000  }
0xcc: {  	[sflag:s19] =	ssyncset.done $0x0  }
0xcd: {  	[sflag:s19] =	ssyncadd.s32 $0xFFFFC000  }
0xce: {  	[spmem:s1] =	stream.indirect.scatter.add.f32 [tilespmem:s18], [sflag:$0x2], $0x80, s26, s17, $0xb8;
	[tilespmem:$0x1FD00] =	vst v63  }
0xcf: {  	_ =	swait.ge [sflag:s15], $0x4000  }
0xd0: {  	[sflag:s15] =	ssyncset.done $0x0  }
0xd1: {  	[sflag:s15] =	ssyncadd.s32 $0xFFFFC000  }
0xd2: {  	[bflag:$0x0] =	sbarrier.arrive $0xFFFF  }
0xd3: {  	[hbm:s20], [sflag:s24] =	dma.local [spmem:s25], $0xA00  }
0xd4: {  	_ =	swait.ge [sflag:s15], $0xA00  }
0xd5: {  	[sflag:s15] =	ssyncset.done $0x0  }
0xd6: {  	[sflag:s15] =	ssyncadd.s32 $0xFFFFF600  }
0xd7: {  	[spmem:s25], [sflag:s24] =	dma.local [hbm:s6], $0xA00  }
0xd8: {  	_ =	swait.ge [sflag:s15], $0xA00  }
0xd9: {  	[sflag:s15] =	ssyncset.done $0x0  }
0xda: {  	[sflag:s15] =	ssyncadd.s32 $0xFFFFF600  }
0xdb: {  	s30 =	sadd.s32 $0x0, s13;
	[bflag:$0x0] =	sbarrier.arrive $0xFFFF  }
0xdc: {  	[tilespmem:s2], [sflag:$0x2] =	stream.linear.gather [hbm4b:s30+s2], $0x80, $0x38;
	[tilespmem:$0x1FD00] =	vst v63  }
0xdd: {  	_ =	swait.ge [sflag:s15], $0x80  }
0xde: {  	[sflag:s15] =	ssyncset.done $0x0  }
0xdf: {  	s31 =	sadd.s32 $0x0, s12;
	[sflag:s15] =	ssyncadd.s32 $0xFFFFFF80  }
0xe0: {  	[tilespmem:s17], [sflag:$0x2] =	stream.linear.gather [hbm4b:s31+s2], $0x80, $0x38;
	[tilespmem:$0x1FD00] =	vst v63  }
0xe1: {  	_ =	swait.ge [sflag:s15], $0x80  }
0xe2: {  	[sflag:s15] =	ssyncset.done $0x0  }
0xe3: {  	[sflag:s15] =	ssyncadd.s32 $0xFFFFFF80  }
0xe4: {  	[tilespmem:s18], [sflag:$0x1] =	stream.indirect.gather [hbm4b:s3+s17], $0x80, s17, s17, $0xb8;
	[tilespmem:$0x1FD00] =	vst v63  }
0xe5: {  	v5 =	vld [tilespmem:$0x30]  }
0xe6: {  	v6 =	vld [tilespmem:$0x70]  }
0xe7: {  	v7 =	vld [tilespmem:$0x50]  }
0xe8: {  	v9 =	vld [tilespmem:$0x10]  }
0xe9: {  	v62 =	vld [tilespmem:$0x40]  }
0xea: {  	v10 =	vld [tilespmem:$0x20]  }
0xeb: {  	v11 =	vld [tilespmem:$0x0];
	v5 =	vsub.s32 v5, v2  }
0xec: {  	v6 =	vsub.s32 v6, v2;
	v7 =	vsub.s32 v7, v2;
	vm9 =	vlt.u32 v5, $0xA00  }
0xed: {  	v12 =	vld [tilespmem:$0x60];
	v63 =	vsub.s32 v9, v2;
	vm10 =	vlt.u32 v6, $0xA00;
	v5 =	vsel vm9, v5, v0  }
0xee: {  	vm1 =	vlt.u32 v7, $0xA00;
	vm12 =	vlt.u32 v63, $0xA00;
	v6 =	vsel vm10, v6, v0;
	[tilespmem:$0x30] =	vst v5  }
0xef: {  	v7 =	vsel vm1, v7, v0;
	v8 =	vsel vm12, v63, v0;
	v5 =	vsub.s32 v62, v2;
	[tilespmem:$0x70] =	vst v6  }
0xf0: {  	v6 =	vsub.s32 v10, v2;
	[tilespmem:$0x50] =	vst v7;
	v7 =	vsub.s32 v11, v2;
	vm11 =	vlt.u32 v5, $0xA00  }
0xf1: {  	[tilespmem:$0x10] =	vst v8;
	vm13 =	vlt.u32 v6, $0xA00;
	vm14 =	vlt.u32 v7, $0xA00;
	v5 =	vsel vm11, v5, v0  }
0xf2: {  	v7 =	vsel vm14, v7, v0;
	[tilespmem:$0x40] =	vst v5;
	v5 =	vsel vm13, v6, v0;
	v6 =	vsub.s32 v12, v2  }
0xf3: {  	[tilespmem:$0x0] =	vst v7;
	vm15 =	vlt.u32 v6, $0xA00  }
0xf4: {  	s28 =	simm.s32 $0x20;
	s26 =	simm.s32 $0x10;
	[tilespmem:$0x20] =	vst v5;
	v5 =	vsel vm15, v6, v0  }
.LBB2_4:
0xf5: {  	p0 =	sne.s32 s28, $0x9B0;
	[tilespmem:$0x60] =	vst v5;
	s29 =	smov.u32 s28;
	s28 =	sadd.s32 $0x10, s28  }
0xf6: {  	_ =	swait.ge [sflag:s19], $0x4000  }
0xf7: {  	[sflag:s19] =	ssyncset.done $0x0  }
0xf8: {  	[sflag:s19] =	ssyncadd.s32 $0xFFFFC000  }
0xf9: {  	[spmem:s1] =	stream.indirect.scatter.add.f32 [tilespmem:s18], [sflag:$0x2], $0x80, s2, s17, $0xb8;
	[tilespmem:$0x1FD00] =	vst v63  }
0xfa: {  	_ =	swait.ge [sflag:s15], $0x4000  }
0xfb: {  	[sflag:s15] =	ssyncset.done $0x0  }
0xfc: {  	s30 =	sadd.s32 s26, s13;
	[sflag:s15] =	ssyncadd.s32 $0xFFFFC000  }
0xfd: {  	[tilespmem:s2], [sflag:$0x2] =	stream.linear.gather [hbm4b:s30+s2], $0x80, $0x38;
	[tilespmem:$0x1FD00] =	vst v63  }
0xfe: {  	_ =	swait.ge [sflag:s15], $0x80  }
0xff: {  	[sflag:s15] =	ssyncset.done $0x0  }
0x100: {  	s30 =	sadd.s32 s26, s12;
	s26 =	smov.u32 s29;
	[sflag:s15] =	ssyncadd.s32 $0xFFFFFF80  }
0x101: {  	[tilespmem:s17], [sflag:$0x2] =	stream.linear.gather [hbm4b:s30+s2], $0x80, $0x38;
	[tilespmem:$0x1FD00] =	vst v63  }
0x102: {  	_ =	swait.ge [sflag:s15], $0x80  }
0x103: {  	[sflag:s15] =	ssyncset.done $0x0  }
0x104: {  	[sflag:s15] =	ssyncadd.s32 $0xFFFFFF80  }
0x105: {  	[tilespmem:s18], [sflag:$0x1] =	stream.indirect.gather [hbm4b:s3+s17], $0x80, s17, s17, $0xb8;
	[tilespmem:$0x1FD00] =	vst v63  }
0x106: {  	v5 =	vld [tilespmem:$0x50]  }
0x107: {  	v6 =	vld [tilespmem:$0x30]  }
0x108: {  	v7 =	vld [tilespmem:$0x70]  }
0x109: {  	v8 =	vld [tilespmem:$0x40]  }
0x10a: {  	v9 =	vld [tilespmem:$0x10]  }
0x10b: {  	v10 =	vld [tilespmem:$0x0]  }
0x10c: {  	v11 =	vld [tilespmem:$0x20];
	v6 =	vsub.s32 v6, v2  }
0x10d: {  	vm0 =	vlt.u32 v6, $0xA00;
	v12 =	vld [tilespmem:$0x60];
	v7 =	vsub.s32 v7, v2  }
0x10e: {  	v5 =	vsub.s32 v5, v2;
	v6 =	vsel vm0, v6, v0;
	vm0 =	vlt.u32 v7, $0xA00  }
0x10f: {  	vm1 =	vlt.u32 v5, $0xA00;
	[tilespmem:$0x30] =	vst v6;
	v6 =	vsub.s32 v8, v2;
	v7 =	vsel vm0, v7, v0  }
0x110: {  	v5 =	vsel vm1, v5, v0;
	v8 =	vsub.s32 v9, v2;
	vm0 =	vlt.u32 v6, $0xA00;
	[tilespmem:$0x70] =	vst v7  }
.Ltmp1:
0x111: {  	vm1 =	vlt.u32 v8, $0xA00;
	v7 =	vsub.s32 v11, v2;
	v6 =	vsel vm0, v6, v0;
	[tilespmem:$0x50] =	vst v5;
	(pc) =	sbr.rel @p0 .LBB2_4-.Ltmp1, $4  }
0x112: {  	v5 =	vsub.s32 v10, v2;
	v8 =	vsel vm1, v8, v0;
	vm0 =	vlt.u32 v7, $0xA00;
	[tilespmem:$0x40] =	vst v6  }
0x113: {  	vm1 =	vlt.u32 v5, $0xA00;
	[tilespmem:$0x10] =	vst v8;
	v6 =	vsel vm0, v7, v0;
	v7 =	vsub.s32 v12, v2  }
0x114: {  	v5 =	vsel vm1, v5, v0;
	[tilespmem:$0x20] =	vst v6;
	vm0 =	vlt.u32 v7, $0xA00  }
0x115: {  	[tilespmem:$0x0] =	vst v5;
	v5 =	vsel vm0, v7, v0  }
0x116: {  	[tilespmem:$0x60] =	vst v5  }
0x117: {  	_ =	swait.ge [sflag:s19], $0x4000  }
0x118: {  	[sflag:s19] =	ssyncset.done $0x0  }
0x119: {  	[sflag:s19] =	ssyncadd.s32 $0xFFFFC000  }
0x11a: {  	[spmem:s1] =	stream.indirect.scatter.add.f32 [tilespmem:s18], [sflag:$0x2], $0x80, s2, s17, $0xb8;
	[tilespmem:$0x1FD00] =	vst v63  }
0x11b: {  	_ =	swait.ge [sflag:s15], $0x4000  }
0x11c: {  	[sflag:s15] =	ssyncset.done $0x0  }
0x11d: {  	s28 =	sadd.s32 s26, s13;
	[sflag:s15] =	ssyncadd.s32 $0xFFFFC000  }
0x11e: {  	[tilespmem:s2], [sflag:$0x2] =	stream.linear.gather [hbm4b:s28+s2], $0x80, $0x38;
	[tilespmem:$0x1FD00] =	vst v63  }
0x11f: {  	_ =	swait.ge [sflag:s15], $0x80  }
0x120: {  	[sflag:s15] =	ssyncset.done $0x0  }
0x121: {  	s31 =	sadd.s32 s26, s12;
	[sflag:s15] =	ssyncadd.s32 $0xFFFFFF80  }
0x122: {  	[tilespmem:s17], [sflag:$0x2] =	stream.linear.gather [hbm4b:s31+s2], $0x80, $0x38;
	[tilespmem:$0x1FD00] =	vst v63  }
0x123: {  	_ =	swait.ge [sflag:s15], $0x80  }
0x124: {  	[sflag:s15] =	ssyncset.done $0x0  }
0x125: {  	[sflag:s15] =	ssyncadd.s32 $0xFFFFFF80  }
0x126: {  	[tilespmem:s18], [sflag:$0x1] =	stream.indirect.gather [hbm4b:s3+s17], $0x80, s17, s17, $0xb8;
	[tilespmem:$0x1FD00] =	vst v63  }
0x127: {  	v5 =	vld [tilespmem:$0x30]  }
0x128: {  	v6 =	vld [tilespmem:$0x70]  }
0x129: {  	v7 =	vld [tilespmem:$0x50]  }
0x12a: {  	v9 =	vld [tilespmem:$0x10]  }
0x12b: {  	v8 =	vld [tilespmem:$0x40]  }
0x12c: {  	v10 =	vld [tilespmem:$0x20]  }
0x12d: {  	v11 =	vld [tilespmem:$0x0];
	v5 =	vsub.s32 v5, v2  }
0x12e: {  	v6 =	vsub.s32 v6, v2;
	v7 =	vsub.s32 v7, v2;
	vm0 =	vlt.u32 v5, $0xA00  }
0x12f: {  	v12 =	vld [tilespmem:$0x60];
	v58 =	vsub.s32 v9, v2;
	vm14 =	vlt.u32 v6, $0xA00;
	v5 =	vsel vm0, v5, v0  }
0x130: {  	vm1 =	vlt.u32 v7, $0xA00;
	vm4 =	vlt.u32 v58, $0xA00;
	v6 =	vsel vm14, v6, v0;
	[tilespmem:$0x30] =	vst v5  }
0x131: {  	v7 =	vsel vm1, v7, v0;
	v5 =	vsub.s32 v8, v2;
	[tilespmem:$0x70] =	vst v6;
	v6 =	vsub.s32 v10, v2  }
0x132: {  	[tilespmem:$0x50] =	vst v7;
	v7 =	vsub.s32 v11, v2;
	v8 =	vsel vm4, v58, v0;
	vm15 =	vlt.u32 v5, $0xA00  }
0x133: {  	vm5 =	vlt.u32 v6, $0xA00;
	vm6 =	vlt.u32 v7, $0xA00;
	[tilespmem:$0x10] =	vst v8;
	v5 =	vsel vm15, v5, v0  }
0x134: {  	v7 =	vsel vm6, v7, v0;
	[tilespmem:$0x40] =	vst v5;
	v5 =	vsel vm5, v6, v0;
	v6 =	vsub.s32 v12, v2  }
0x135: {  	[tilespmem:$0x0] =	vst v7;
	vm7 =	vlt.u32 v6, $0xA00  }
0x136: {  	[tilespmem:$0x20] =	vst v5;
	v5 =	vsel vm7, v6, v0  }
0x137: {  	[tilespmem:$0x60] =	vst v5  }
0x138: {  	_ =	swait.ge [sflag:s19], $0x4000  }
0x139: {  	[sflag:s19] =	ssyncset.done $0x0  }
0x13a: {  	[sflag:s19] =	ssyncadd.s32 $0xFFFFC000  }
0x13b: {  	[spmem:s1] =	stream.indirect.scatter.add.f32 [tilespmem:s18], [sflag:$0x2], $0x80, s2, s17, $0xb8;
	[tilespmem:$0x1FD00] =	vst v63  }
0x13c: {  	_ =	swait.ge [sflag:s15], $0x4000  }
0x13d: {  	[sflag:s15] =	ssyncset.done $0x0  }
0x13e: {  	[sflag:s15] =	ssyncadd.s32 $0xFFFFC000  }
0x13f: {  	[tilespmem:s2], [sflag:$0x2] =	stream.linear.gather [hbm4b:s9+s2], $0x20, $0x38;
	[tilespmem:$0x1FD00] =	vst v63  }
0x140: {  	_ =	swait.ge [sflag:s15], $0x20  }
0x141: {  	[sflag:s15] =	ssyncset.done $0x0  }
0x142: {  	[sflag:s15] =	ssyncadd.s32 $0xFFFFFFE0  }
0x143: {  	[tilespmem:s17], [sflag:$0x2] =	stream.linear.gather [hbm4b:s10+s2], $0x20, $0x38;
	[tilespmem:$0x1FD00] =	vst v63  }
0x144: {  	_ =	swait.ge [sflag:s15], $0x20  }
0x145: {  	[sflag:s15] =	ssyncset.done $0x0  }
0x146: {  	[sflag:s15] =	ssyncadd.s32 $0xFFFFFFE0  }
0x147: {  	[tilespmem:$0x20] =	vst v3  }
0x148: {  	[tilespmem:$0xA0] =	vst v4  }
0x149: {  	[tilespmem:$0x30] =	vst v3  }
0x14a: {  	[tilespmem:$0xB0] =	vst v4  }
0x14b: {  	[tilespmem:$0x40] =	vst v3  }
0x14c: {  	[tilespmem:$0xC0] =	vst v4  }
0x14d: {  	[tilespmem:$0x50] =	vst v3  }
0x14e: {  	[tilespmem:$0xD0] =	vst v4  }
0x14f: {  	[tilespmem:$0x60] =	vst v3  }
0x150: {  	[tilespmem:$0xE0] =	vst v4  }
0x151: {  	[tilespmem:$0x70] =	vst v3  }
0x152: {  	[tilespmem:$0xF0] =	vst v4  }
0x153: {  	[tilespmem:s18], [sflag:$0x1] =	stream.indirect.gather [hbm4b:s3+s17], $0x80, s17, s17, $0xb8;
	[tilespmem:$0x1FD00] =	vst v63  }
0x154: {  	v5 =	vld [tilespmem:$0x0]  }
0x155: {  	v6 =	vld [tilespmem:$0x10]  }
0x156: {  	v7 =	vld [tilespmem:$0x20]  }
0x157: {  	v59 =	vld [tilespmem:$0x30]  }
0x158: {  	v60 =	vld [tilespmem:$0x40]  }
0x159: {  	v61 =	vld [tilespmem:$0x50];
	v5 =	vsub.s32 v5, v2  }
0x15a: {  	v62 =	vld [tilespmem:$0x60];
	v6 =	vsub.s32 v6, v2;
	vm8 =	vlt.u32 v5, $0xA00  }
0x15b: {  	v63 =	vld [tilespmem:$0x70];
	v7 =	vsub.s32 v7, v2;
	vm9 =	vlt.u32 v6, $0xA00;
	v5 =	vsel vm8, v5, v0  }
0x15c: {  	vm10 =	vlt.u32 v7, $0xA00;
	[tilespmem:$0x0] =	vst v5;
	v5 =	vsel vm9, v6, v0;
	v6 =	vsub.s32 v59, v2  }
0x15d: {  	[tilespmem:$0x10] =	vst v5;
	v5 =	vsel vm10, v7, v0;
	vm11 =	vlt.u32 v6, $0xA00;
	v7 =	vsub.s32 v60, v2  }
0x15e: {  	[tilespmem:$0x20] =	vst v5;
	v5 =	vsel vm11, v6, v0;
	vm12 =	vlt.u32 v7, $0xA00;
	v6 =	vsub.s32 v61, v2  }
0x15f: {  	[tilespmem:$0x30] =	vst v5;
	v5 =	vsel vm12, v7, v0;
	vm13 =	vlt.u32 v6, $0xA00;
	v7 =	vsub.s32 v62, v2  }
0x160: {  	[tilespmem:$0x40] =	vst v5;
	v5 =	vsel vm13, v6, v0;
	vm14 =	vlt.u32 v7, $0xA00;
	v6 =	vsub.s32 v63, v2  }
0x161: {  	[tilespmem:$0x50] =	vst v5;
	v5 =	vsel vm14, v7, v0;
	vm15 =	vlt.u32 v6, $0xA00  }
0x162: {  	[tilespmem:$0x60] =	vst v5;
	v5 =	vsel vm15, v6, v0  }
0x163: {  	[tilespmem:$0x70] =	vst v5  }
0x164: {  	_ =	swait.ge [sflag:s19], $0x4000  }
0x165: {  	[sflag:s19] =	ssyncset.done $0x0  }
0x166: {  	[sflag:s19] =	ssyncadd.s32 $0xFFFFC000  }
0x167: {  	[spmem:s1] =	stream.indirect.scatter.add.f32 [tilespmem:s18], [sflag:$0x2], $0x80, s2, s17, $0xb8;
	[tilespmem:$0x1FD00] =	vst v63  }
0x168: {  	_ =	swait.ge [sflag:s15], $0x4000  }
0x169: {  	[sflag:s15] =	ssyncset.done $0x0  }
0x16a: {  	[sflag:s15] =	ssyncadd.s32 $0xFFFFC000  }
0x16b: {  	[bflag:$0x0] =	sbarrier.arrive $0xFFFF  }
0x16c: {  	[hbm:s21], [sflag:s24] =	dma.local [spmem:s25], $0xA00  }
0x16d: {  	s23 =	sadd.s32 $0x1, s23;
	_ =	swait.ge [sflag:s15], $0xA00  }
0x16e: {  	p0 =	sne.s32 s23, s11;
	[sflag:s15] =	ssyncset.done $0x0  }
.Ltmp2:
0x16f: {  	[sflag:s15] =	ssyncadd.s32 $0xFFFFF600;
	(pc) =	sbr.rel @p0 .LBB2_1-.Ltmp2, $4  }
0x170: {  	[hbm4b:s22+s2] =	stream.linear.scatter [tilespmem:s14], [sflag:$0x2], $0x14000, $0x38;
	[tilespmem:$0x1FD00] =	vst v63  }
0x171: {  	_ =	swait.ge [sflag:s15], $0x14000  }
0x172: {  	[sflag:s15] =	ssyncset.done $0x0  }
0x173: {  	[sflag:s15] =	ssyncadd.s32 $0xFFFEC000  }
0x174: {  	_ =	sfence.sel $0x180000  }
0x175: {  	[bflag:$0x0] =	sbarrier.arrive $0xFFFF  }
0x176: {  	p0 =	sne.s32 s5, $0x0;
	_ =	strace $0x90000047  }
0x177: {  	s0 =	sadd.s32 @!p0 $0x100000, s0;
	[bflag:$0x2] =	sbarrier.arrive $0xFFFF  }
0x178: {  	[sflag:s0] =	ssyncadd.tile.s32 @!p0 $0x1;
	_ =	shalt  }
.Lfunc_end2:
_tile_overlayer_lowered:
.L_overlay_start_2:
0x179: {  	(tag) =	ssettag $0x2  }
0x17a: {  	s0 =	rddreg [dreg:$0x0];
	s2 =	stileid.u32  }
0x17b: {  	s1 =	rddreg [dreg:$0x1];
	p0 =	sne.s32 s2, $0x0  }
0x17c: {  	s3 =	rddreg [dreg:$0x2];
	[bflag:$0x3] =	sbarrier.arrive $0xFFFF;
	s2 =	simm.s32 @!p0 $0x1C02  }
0x17d: {  	[timem:s3], [sflag:s2] =	dma.local @!p0 [hbm:s0], s1  }
0x17e: {  	s0 =	simm.s32 @!p0 $0x2  }
0x17f: {  	_ =	swait.ge @!p0 [sflag:s0], s1  }
0x180: {  	s1 =	ssub.s32 @!p0 $0x0, s1;
	[sflag:s0] =	ssyncset.done @!p0 $0x0  }
0x181: {  	[sflag:s0] =	ssyncadd.s32 @!p0 s1  }
0x182: {  	[bflag:$0x3] =	sbarrier.arrive $0xFFFF  }
0x183: {  	_ =	shalt  }

</sc_bundles>
